<compile_context>
chip_gen: v7x
topology: tpu7x:2x2x1
jax: 0.10.2.dev20260603
libtpu: 0.0.44.dev20260713+nightly
codegen_flags: <defaults>
</compile_context>

<pallas_src>
import functools

import jax
import jax.numpy as jnp
from jax import lax
from jax.experimental import pallas as pl
from jax.experimental.pallas import tpu as pltpu
from jax.experimental.pallas import tpu_sc as plsc

_NE = 1024
_ED = 64
_B = 8
_HW = 1024
_N = _B * _HW
_CC = 0.25
_BPG = 4
_NG = _B // _BPG


def _dist_kernel(x_ref, w_ref, idx_ref, loss_ref, perp_ref, cnt_ref, acc_ref):
    g = pl.program_id(0)
    w = w_ref[...]
    wsq = jnp.sum((w * w).T, axis=0)

    @pl.when(g == 0)
    def _():
        cnt_ref[...] = jnp.zeros_like(cnt_ref)
        acc_ref[0, 0] = 0.0

    lane = lax.broadcasted_iota(jnp.int32, (_HW, _NE), 1)
    for j in range(_BPG):
        x = x_ref[0, j]
        flat = x.T
        flatsq = jnp.sum(x * x, axis=0)[:, None]
        m = lax.dot_general(flat, w, (((1,), (1,)), ((), ())),
                            preferred_element_type=jnp.float32)
        d = (flatsq + wsq[None, :]) - 2.0 * m
        dmin = jnp.min(d, axis=1, keepdims=True)
        idx = jnp.min(jnp.where(d == dmin, lane, _NE), axis=1)
        idx_ref[0, j, :] = idx
        acc_ref[0, 0] += jnp.sum(dmin)
        cnt_ref[0, :] += jnp.sum(
            (lane == idx[:, None]).astype(jnp.float32), axis=0)

    @pl.when(g == _NG - 1)
    def _():
        mse = acc_ref[0, 0] / float(_N * _ED)
        loss_ref[0, 0] = mse + _CC * mse
        p = cnt_ref[0] * (1.0 / _N)
        perp_ref[0, 0] = jnp.exp(-jnp.sum(p * jnp.log(p + 1e-10)))


_CG = 8
_PC = 2048
_L = 16


def _sc_out(wt, idx):

    @functools.partial(
        pl.kernel,
        mesh=plsc.VectorSubcoreMesh(core_axis_name="c", subcore_axis_name="s"),
        compiler_params=pltpu.CompilerParams(needs_layout_passes=False),
        out_type=jax.ShapeDtypeStruct((_B, _ED, _HW), jnp.float32),
        scratch_types=[
            pltpu.VMEM((_PC,), jnp.int32),
            pltpu.VMEM((_CG * _NE,), jnp.float32),
            pltpu.VMEM((_CG, _PC), jnp.float32),
        ],
    )
    def out_k(wt_hbm, idx_hbm, out_hbm, idx_v, wt_v, out_v):
        wid = lax.axis_index("s") * 2 + lax.axis_index("c")
        c0 = (wid % 8) * _CG
        p0 = (wid // 8) * _PC
        b0 = (wid // 8) * (_PC // _HW)
        pltpu.sync_copy(wt_hbm.at[pl.ds(c0 * _NE, _CG * _NE)], wt_v)
        pltpu.sync_copy(idx_hbm.at[pl.ds(p0, _PC)], idx_v)

        @plsc.parallel_loop(0, _PC // _L, unroll=4)
        def body(k):
            iv = idx_v[pl.ds(k * _L, _L)]
            for c in range(_CG):
                qv = plsc.load_gather(wt_v, [iv + (c * _NE)])
                out_v[c, pl.ds(k * _L, _L)] = qv
        pltpu.sync_copy(out_v.at[:, pl.ds(0, _HW)],
                        out_hbm.at[b0, pl.ds(c0, _CG), :])
        pltpu.sync_copy(out_v.at[:, pl.ds(_HW, _HW)],
                        out_hbm.at[b0 + 1, pl.ds(c0, _CG), :])

    return out_k(wt, idx)


def kernel(inputs, W):
    x4 = inputs.reshape(_NG, _BPG, _ED, _HW)
    idx3, loss, perp = pl.pallas_call(
        _dist_kernel,
        grid=(_NG,),
        in_specs=[pl.BlockSpec((1, _BPG, _ED, _HW), lambda g: (g, 0, 0, 0)),
                  pl.BlockSpec((_NE, _ED), lambda g: (0, 0))],
        out_specs=[pl.BlockSpec((1, _BPG, _HW), lambda g: (g, 0, 0)),
                   pl.BlockSpec((1, 1), lambda g: (0, 0),
                                memory_space=pltpu.SMEM),
                   pl.BlockSpec((1, 1), lambda g: (0, 0),
                                memory_space=pltpu.SMEM)],
        out_shape=[jax.ShapeDtypeStruct((_NG, _BPG, _HW), jnp.int32),
                   jax.ShapeDtypeStruct((1, 1), jnp.float32),
                   jax.ShapeDtypeStruct((1, 1), jnp.float32)],
        scratch_shapes=[pltpu.VMEM((1, _NE), jnp.float32),
                        pltpu.SMEM((1, 1), jnp.float32)],
    )(x4, W)
    out3 = _sc_out(W.T.reshape(_ED * _NE), idx3.reshape(_N))
    return out3.reshape(8, 64, 32, 32), loss[0, 0], perp[0, 0]

# --- scband reference (transcript-rebuilt; emitter-appended) ---
"""Pipeline reference for scband-vector-quantizer-21595095564368 (READ-ONLY COPY).

The authoritative reference and input builder live on the scoring server;
editing this copy changes nothing except your own understanding.
"""

import jax, jax.numpy as jnp
import numpy as np

NUM_EMBEDDINGS = 1024
EMBEDDING_DIM = 64
COMMITMENT_COST = 0.25

def setup_inputs(seed: int = 0) -> dict:
    key = jax.random.key(seed)
    k1, k2 = jax.random.split(key)
    inputs = jax.random.normal(k1, (8, EMBEDDING_DIM, 32, 32), dtype=jnp.float32)
    W = jax.random.uniform(k2, (NUM_EMBEDDINGS, EMBEDDING_DIM), dtype=jnp.float32,
                           minval=-1.0 / NUM_EMBEDDINGS, maxval=1.0 / NUM_EMBEDDINGS)
    return {"inputs": inputs, "W": W}

def reference(inputs, W):
    # permute BCHW -> BHWC
    x = jnp.transpose(inputs, (0, 2, 3, 1))
    input_shape = x.shape
    flat = x.reshape(-1, EMBEDDING_DIM)
    # squared L2 distances to codebook
    distances = (jnp.sum(flat ** 2, axis=1, keepdims=True)
                 + jnp.sum(W ** 2, axis=1)
                 - 2.0 * jnp.matmul(flat, W.T))
    encoding_indices = jnp.argmin(distances, axis=1)
    encodings = jax.nn.one_hot(encoding_indices, NUM_EMBEDDINGS, dtype=jnp.float32)
    quantized = jnp.matmul(encodings, W).reshape(input_shape)
    # losses (eval mode: no EMA update)
    e_latent_loss = jnp.mean((jax.lax.stop_gradient(quantized) - x) ** 2)
    q_latent_loss = jnp.mean((quantized - jax.lax.stop_gradient(x)) ** 2)
    loss = q_latent_loss + COMMITMENT_COST * e_latent_loss
    # straight-through estimator
    quantized_st = x + jax.lax.stop_gradient(quantized - x)
    avg_probs = jnp.mean(encodings, axis=0)
    perplexity = jnp.exp(-jnp.sum(avg_probs * jnp.log(avg_probs + 1e-10)))
    out = jnp.transpose(quantized_st, (0, 3, 1, 2))
    return (out, loss, perplexity)

if __name__ == "__main__":
    import jax
    _d = setup_inputs()
    print(jax.jit(kernel)(*tuple(_d.values())))

</pallas_src>

<mosaic_0001>
#map = affine_map<(d0, d1) -> (0)>
#map1 = affine_map<(d0, d1) -> (0, 0, 0)>
module attributes {stable_mosaic.version = 14 : i64} {
  func.func @out_k(%arg0: i32, %arg1: i32, %arg2: memref<65536xf32, #tpu.memory_space<hbm>>, %arg3: memref<8192xi32, #tpu.memory_space<hbm>>, %arg4: memref<8x64x1024xf32, #tpu.memory_space<hbm>>, %arg5: memref<2048xi32, #tpu.memory_space<vmem>>, %arg6: memref<8192xf32, #tpu.memory_space<vmem>>, %arg7: memref<8x2048xf32, #tpu.memory_space<vmem>>) attributes {dimension_semantics = [#tpu.dimension_semantics<core_parallel>, #tpu.dimension_semantics<subcore_parallel>], iteration_bounds = array<i64: 2, 16>, scalar_prefetch = 0 : i64, scratch_operands = 3 : i64, tpu.core_type = #tpu.core_type<sc_vector_subcore>, window_params = [{transform_indices = #map}, {transform_indices = #map}, {transform_indices = #map1}]} {
    %mul3A = arith.constant 2 : i32
    %mul3A_0 = arith.muli %arg1, %mul3A : i32
    %add3A = arith.addi %mul3A_0, %arg0 : i32
    %jit3A = arith.constant 8 : i32
    %eq3A = arith.constant 0 : i32
    %eq3A_1 = arith.cmpi eq, %jit3A, %eq3A : i32
    %jit3A_2 = arith.constant 1 : i32
    %select_n3A = arith.select %eq3A_1, %jit3A_2, %jit3A : i32
    %rem3A = arith.remsi %add3A, %select_n3A : i32
    %ne3A = arith.constant 0 : i32
    %ne3A_3 = arith.cmpi ne, %rem3A, %ne3A : i32
    %lt3A = arith.constant 0 : i32
    %lt3A_4 = arith.cmpi slt, %rem3A, %lt3A : i32
    %lt3A_5 = arith.constant 0 : i32
    %lt3A_6 = arith.cmpi slt, %select_n3A, %lt3A_5 : i32
    %ne3A_7 = arith.xori %lt3A_4, %lt3A_6 : i1
    %and3A = arith.andi %ne3A_7, %ne3A_3 : i1
    %add3A_8 = arith.addi %rem3A, %select_n3A : i32
    %select_n3A_9 = arith.select %and3A, %add3A_8, %rem3A : i32
    %mul3A_10 = arith.constant 8 : i32
    %mul3A_11 = arith.muli %select_n3A_9, %mul3A_10 : i32
    %jit3A_12 = arith.constant 8 : i32
    %div3A = arith.divsi %add3A, %jit3A_12 : i32
    %sign3A = arith.constant 0 : i32
    %sign3A_13 = arith.cmpi sgt, %add3A, %sign3A : i32
    %sign3A_14 = arith.extui %sign3A_13 : i1 to i32
    %sign3A_15 = arith.constant 0 : i32
    %sign3A_16 = arith.cmpi slt, %add3A, %sign3A_15 : i32
    %sign3A_17 = arith.extui %sign3A_16 : i1 to i32
    %sign3A_18 = arith.subi %sign3A_14, %sign3A_17 : i32
    %sign3A_19 = arith.constant 0 : i32
    %sign3A_20 = arith.cmpi sgt, %jit3A_12, %sign3A_19 : i32
    %sign3A_21 = arith.extui %sign3A_20 : i1 to i32
    %sign3A_22 = arith.constant 0 : i32
    %sign3A_23 = arith.cmpi slt, %jit3A_12, %sign3A_22 : i32
    %sign3A_24 = arith.extui %sign3A_23 : i1 to i32
    %sign3A_25 = arith.subi %sign3A_21, %sign3A_24 : i32
    %ne3A_26 = arith.cmpi ne, %sign3A_18, %sign3A_25 : i32
    %rem3A_27 = arith.remsi %add3A, %jit3A_12 : i32
    %ne3A_28 = arith.constant 0 : i32
    %ne3A_29 = arith.cmpi ne, %rem3A_27, %ne3A_28 : i32
    %and3A_30 = arith.andi %ne3A_26, %ne3A_29 : i1
    %sub3A = arith.constant 1 : i32
    %sub3A_31 = arith.subi %div3A, %sub3A : i32
    %select_n3A_32 = arith.select %and3A_30, %sub3A_31, %div3A : i32
    %mul3A_33 = arith.constant 2048 : i32
    %mul3A_34 = arith.muli %select_n3A_32, %mul3A_33 : i32
    %jit3A_35 = arith.constant 8 : i32
    %div3A_36 = arith.divsi %add3A, %jit3A_35 : i32
    %sign3A_37 = arith.constant 0 : i32
    %sign3A_38 = arith.cmpi sgt, %add3A, %sign3A_37 : i32
    %sign3A_39 = arith.extui %sign3A_38 : i1 to i32
    %sign3A_40 = arith.constant 0 : i32
    %sign3A_41 = arith.cmpi slt, %add3A, %sign3A_40 : i32
    %sign3A_42 = arith.extui %sign3A_41 : i1 to i32
    %sign3A_43 = arith.subi %sign3A_39, %sign3A_42 : i32
    %sign3A_44 = arith.constant 0 : i32
    %sign3A_45 = arith.cmpi sgt, %jit3A_35, %sign3A_44 : i32
    %sign3A_46 = arith.extui %sign3A_45 : i1 to i32
    %sign3A_47 = arith.constant 0 : i32
    %sign3A_48 = arith.cmpi slt, %jit3A_35, %sign3A_47 : i32
    %sign3A_49 = arith.extui %sign3A_48 : i1 to i32
    %sign3A_50 = arith.subi %sign3A_46, %sign3A_49 : i32
    %ne3A_51 = arith.cmpi ne, %sign3A_43, %sign3A_50 : i32
    %rem3A_52 = arith.remsi %add3A, %jit3A_35 : i32
    %ne3A_53 = arith.constant 0 : i32
    %ne3A_54 = arith.cmpi ne, %rem3A_52, %ne3A_53 : i32
    %and3A_55 = arith.andi %ne3A_51, %ne3A_54 : i1
    %sub3A_56 = arith.constant 1 : i32
    %sub3A_57 = arith.subi %div3A_36, %sub3A_56 : i32
    %select_n3A_58 = arith.select %and3A_55, %sub3A_57, %div3A_36 : i32
    %mul3A_59 = arith.constant 2 : i32
    %mul3A_60 = arith.muli %select_n3A_58, %mul3A_59 : i32
    %mul3A_61 = arith.constant 1024 : i32
    %mul3A_62 = arith.muli %mul3A_11, %mul3A_61 : i32
    "tpu.region"() ({
      %run_scoped3A = tpu.sem_alloc : memref<!tpu.dma_semaphore, #tpu.memory_space<semaphore_mem>>
      %dma_start3A = tpu.memref_slice %arg2[%mul3A_62] : memref<65536xf32, #tpu.memory_space<hbm>> -> memref<8192xf32, #tpu.memory_space<hbm>>
      %dma_start3A_67 = tpu.memref_slice %arg2[%mul3A_62] : memref<65536xf32, #tpu.memory_space<hbm>> -> memref<8192xf32, #tpu.memory_space<hbm>>
      tpu.enqueue_dma source(%dma_start3A_67 : memref<8192xf32, #tpu.memory_space<hbm>>) target(%arg6 : memref<8192xf32, #tpu.memory_space<vmem>>) target_semaphore(%run_scoped3A : memref<!tpu.dma_semaphore, #tpu.memory_space<semaphore_mem>>)
      %dma_wait3A = tpu.memref_slice %arg2[%mul3A_62] : memref<65536xf32, #tpu.memory_space<hbm>> -> memref<8192xf32, #tpu.memory_space<hbm>>
      %dma_wait3A_68 = tpu.memref_slice %arg2[%mul3A_62] : memref<65536xf32, #tpu.memory_space<hbm>> -> memref<8192xf32, #tpu.memory_space<hbm>>
      tpu.wait_dma2 semaphore(%run_scoped3A : memref<!tpu.dma_semaphore, #tpu.memory_space<semaphore_mem>>) src(%dma_wait3A_68 : memref<8192xf32, #tpu.memory_space<hbm>>) dst(%arg6 : memref<8192xf32, #tpu.memory_space<vmem>>)
      tpu.yield
    }) : () -> ()
    "tpu.region"() ({
      %run_scoped3A = tpu.sem_alloc : memref<!tpu.dma_semaphore, #tpu.memory_space<semaphore_mem>>
      %dma_start3A = tpu.memref_slice %arg3[%mul3A_34] : memref<8192xi32, #tpu.memory_space<hbm>> -> memref<2048xi32, #tpu.memory_space<hbm>>
      %dma_start3A_67 = tpu.memref_slice %arg3[%mul3A_34] : memref<8192xi32, #tpu.memory_space<hbm>> -> memref<2048xi32, #tpu.memory_space<hbm>>
      tpu.enqueue_dma source(%dma_start3A_67 : memref<2048xi32, #tpu.memory_space<hbm>>) target(%arg5 : memref<2048xi32, #tpu.memory_space<vmem>>) target_semaphore(%run_scoped3A : memref<!tpu.dma_semaphore, #tpu.memory_space<semaphore_mem>>)
      %dma_wait3A = tpu.memref_slice %arg3[%mul3A_34] : memref<8192xi32, #tpu.memory_space<hbm>> -> memref<2048xi32, #tpu.memory_space<hbm>>
      %dma_wait3A_68 = tpu.memref_slice %arg3[%mul3A_34] : memref<8192xi32, #tpu.memory_space<hbm>> -> memref<2048xi32, #tpu.memory_space<hbm>>
      tpu.wait_dma2 semaphore(%run_scoped3A : memref<!tpu.dma_semaphore, #tpu.memory_space<semaphore_mem>>) src(%dma_wait3A_68 : memref<2048xi32, #tpu.memory_space<hbm>>) dst(%arg5 : memref<2048xi32, #tpu.memory_space<vmem>>)
      tpu.yield
    }) : () -> ()
    %parallel_loop3A = arith.constant 0 : i32
    %parallel_loop3A_63 = arith.constant 128 : i32
    %parallel_loop3A_64 = arith.constant 1 : i32
    scf.for %parallel_loop3A_67 = %parallel_loop3A to %parallel_loop3A_63 step %parallel_loop3A_64  : i32 {
      %parallel_loop3A_68 = arith.constant 16 : i32
      %parallel_loop3A_69 = arith.muli %parallel_loop3A_67, %parallel_loop3A_68 : i32
      %parallel_loop3A_70 = arith.index_cast %parallel_loop3A_69 : i32 to index
      %parallel_loop3A_71 = tpu.vector_load %arg5[%parallel_loop3A_70] {strides = array<i32>} : memref<2048xi32, #tpu.memory_space<vmem>>, vector<16xi32>,
      %parallel_loop3A_72 = arith.constant 0 : i32
      %parallel_loop3A_73 = vector.broadcast %parallel_loop3A_72 : i32 to vector<16xi32>
      %parallel_loop3A_74 = arith.addi %parallel_loop3A_71, %parallel_loop3A_73 : vector<16xi32>
      %parallel_loop3A_75 = tpu.vector_load_idx %arg6[%parallel_loop3A_74] : memref<8192xf32, #tpu.memory_space<vmem>>[vector<16xi32>], vector<16xf32>,
      %parallel_loop3A_76 = arith.constant 16 : i32
      %parallel_loop3A_77 = arith.muli %parallel_loop3A_67, %parallel_loop3A_76 : i32
      %parallel_loop3A_78 = arith.constant 0 : i32
      %parallel_loop3A_79 = arith.index_cast %parallel_loop3A_78 : i32 to index
      %parallel_loop3A_80 = arith.index_cast %parallel_loop3A_77 : i32 to index
      %parallel_loop3A_81 = tpu.vector_load %arg7[%parallel_loop3A_79, %parallel_loop3A_80] {strides = array<i32>} : memref<8x2048xf32, #tpu.memory_space<vmem>>, vector<16xf32>,
      tpu.vector_store %arg7[%parallel_loop3A_79, %parallel_loop3A_80], %parallel_loop3A_75 {strides = array<i32>} : memref<8x2048xf32, #tpu.memory_space<vmem>>, vector<16xf32>,
      %parallel_loop3A_82 = arith.constant 1024 : i32
      %parallel_loop3A_83 = vector.broadcast %parallel_loop3A_82 : i32 to vector<16xi32>
      %parallel_loop3A_84 = arith.addi %parallel_loop3A_71, %parallel_loop3A_83 : vector<16xi32>
      %parallel_loop3A_85 = tpu.vector_load_idx %arg6[%parallel_loop3A_84] : memref<8192xf32, #tpu.memory_space<vmem>>[vector<16xi32>], vector<16xf32>,
      %parallel_loop3A_86 = arith.constant 16 : i32
      %parallel_loop3A_87 = arith.muli %parallel_loop3A_67, %parallel_loop3A_86 : i32
      %parallel_loop3A_88 = arith.constant 1 : i32
      %parallel_loop3A_89 = arith.index_cast %parallel_loop3A_88 : i32 to index
      %parallel_loop3A_90 = arith.index_cast %parallel_loop3A_87 : i32 to index
      %parallel_loop3A_91 = tpu.vector_load %arg7[%parallel_loop3A_89, %parallel_loop3A_90] {strides = array<i32>} : memref<8x2048xf32, #tpu.memory_space<vmem>>, vector<16xf32>,
      tpu.vector_store %arg7[%parallel_loop3A_89, %parallel_loop3A_90], %parallel_loop3A_85 {strides = array<i32>} : memref<8x2048xf32, #tpu.memory_space<vmem>>, vector<16xf32>,
      %parallel_loop3A_92 = arith.constant 2048 : i32
      %parallel_loop3A_93 = vector.broadcast %parallel_loop3A_92 : i32 to vector<16xi32>
      %parallel_loop3A_94 = arith.addi %parallel_loop3A_71, %parallel_loop3A_93 : vector<16xi32>
      %parallel_loop3A_95 = tpu.vector_load_idx %arg6[%parallel_loop3A_94] : memref<8192xf32, #tpu.memory_space<vmem>>[vector<16xi32>], vector<16xf32>,
      %parallel_loop3A_96 = arith.constant 16 : i32
      %parallel_loop3A_97 = arith.muli %parallel_loop3A_67, %parallel_loop3A_96 : i32
      %parallel_loop3A_98 = arith.constant 2 : i32
      %parallel_loop3A_99 = arith.index_cast %parallel_loop3A_98 : i32 to index
      %parallel_loop3A_100 = arith.index_cast %parallel_loop3A_97 : i32 to index
      %parallel_loop3A_101 = tpu.vector_load %arg7[%parallel_loop3A_99, %parallel_loop3A_100] {strides = array<i32>} : memref<8x2048xf32, #tpu.memory_space<vmem>>, vector<16xf32>,
      tpu.vector_store %arg7[%parallel_loop3A_99, %parallel_loop3A_100], %parallel_loop3A_95 {strides = array<i32>} : memref<8x2048xf32, #tpu.memory_space<vmem>>, vector<16xf32>,
      %parallel_loop3A_102 = arith.constant 3072 : i32
      %parallel_loop3A_103 = vector.broadcast %parallel_loop3A_102 : i32 to vector<16xi32>
      %parallel_loop3A_104 = arith.addi %parallel_loop3A_71, %parallel_loop3A_103 : vector<16xi32>
      %parallel_loop3A_105 = tpu.vector_load_idx %arg6[%parallel_loop3A_104] : memref<8192xf32, #tpu.memory_space<vmem>>[vector<16xi32>], vector<16xf32>,
      %parallel_loop3A_106 = arith.constant 16 : i32
      %parallel_loop3A_107 = arith.muli %parallel_loop3A_67, %parallel_loop3A_106 : i32
      %parallel_loop3A_108 = arith.constant 3 : i32
      %parallel_loop3A_109 = arith.index_cast %parallel_loop3A_108 : i32 to index
      %parallel_loop3A_110 = arith.index_cast %parallel_loop3A_107 : i32 to index
      %parallel_loop3A_111 = tpu.vector_load %arg7[%parallel_loop3A_109, %parallel_loop3A_110] {strides = array<i32>} : memref<8x2048xf32, #tpu.memory_space<vmem>>, vector<16xf32>,
      tpu.vector_store %arg7[%parallel_loop3A_109, %parallel_loop3A_110], %parallel_loop3A_105 {strides = array<i32>} : memref<8x2048xf32, #tpu.memory_space<vmem>>, vector<16xf32>,
      %parallel_loop3A_112 = arith.constant 4096 : i32
      %parallel_loop3A_113 = vector.broadcast %parallel_loop3A_112 : i32 to vector<16xi32>
      %parallel_loop3A_114 = arith.addi %parallel_loop3A_71, %parallel_loop3A_113 : vector<16xi32>
      %parallel_loop3A_115 = tpu.vector_load_idx %arg6[%parallel_loop3A_114] : memref<8192xf32, #tpu.memory_space<vmem>>[vector<16xi32>], vector<16xf32>,
      %parallel_loop3A_116 = arith.constant 16 : i32
      %parallel_loop3A_117 = arith.muli %parallel_loop3A_67, %parallel_loop3A_116 : i32
      %parallel_loop3A_118 = arith.constant 4 : i32
      %parallel_loop3A_119 = arith.index_cast %parallel_loop3A_118 : i32 to index
      %parallel_loop3A_120 = arith.index_cast %parallel_loop3A_117 : i32 to index
      %parallel_loop3A_121 = tpu.vector_load %arg7[%parallel_loop3A_119, %parallel_loop3A_120] {strides = array<i32>} : memref<8x2048xf32, #tpu.memory_space<vmem>>, vector<16xf32>,
      tpu.vector_store %arg7[%parallel_loop3A_119, %parallel_loop3A_120], %parallel_loop3A_115 {strides = array<i32>} : memref<8x2048xf32, #tpu.memory_space<vmem>>, vector<16xf32>,
      %parallel_loop3A_122 = arith.constant 5120 : i32
      %parallel_loop3A_123 = vector.broadcast %parallel_loop3A_122 : i32 to vector<16xi32>
      %parallel_loop3A_124 = arith.addi %parallel_loop3A_71, %parallel_loop3A_123 : vector<16xi32>
      %parallel_loop3A_125 = tpu.vector_load_idx %arg6[%parallel_loop3A_124] : memref<8192xf32, #tpu.memory_space<vmem>>[vector<16xi32>], vector<16xf32>,
      %parallel_loop3A_126 = arith.constant 16 : i32
      %parallel_loop3A_127 = arith.muli %parallel_loop3A_67, %parallel_loop3A_126 : i32
      %parallel_loop3A_128 = arith.constant 5 : i32
      %parallel_loop3A_129 = arith.index_cast %parallel_loop3A_128 : i32 to index
      %parallel_loop3A_130 = arith.index_cast %parallel_loop3A_127 : i32 to index
      %parallel_loop3A_131 = tpu.vector_load %arg7[%parallel_loop3A_129, %parallel_loop3A_130] {strides = array<i32>} : memref<8x2048xf32, #tpu.memory_space<vmem>>, vector<16xf32>,
      tpu.vector_store %arg7[%parallel_loop3A_129, %parallel_loop3A_130], %parallel_loop3A_125 {strides = array<i32>} : memref<8x2048xf32, #tpu.memory_space<vmem>>, vector<16xf32>,
      %parallel_loop3A_132 = arith.constant 6144 : i32
      %parallel_loop3A_133 = vector.broadcast %parallel_loop3A_132 : i32 to vector<16xi32>
      %parallel_loop3A_134 = arith.addi %parallel_loop3A_71, %parallel_loop3A_133 : vector<16xi32>
      %parallel_loop3A_135 = tpu.vector_load_idx %arg6[%parallel_loop3A_134] : memref<8192xf32, #tpu.memory_space<vmem>>[vector<16xi32>], vector<16xf32>,
      %parallel_loop3A_136 = arith.constant 16 : i32
      %parallel_loop3A_137 = arith.muli %parallel_loop3A_67, %parallel_loop3A_136 : i32
      %parallel_loop3A_138 = arith.constant 6 : i32
      %parallel_loop3A_139 = arith.index_cast %parallel_loop3A_138 : i32 to index
      %parallel_loop3A_140 = arith.index_cast %parallel_loop3A_137 : i32 to index
      %parallel_loop3A_141 = tpu.vector_load %arg7[%parallel_loop3A_139, %parallel_loop3A_140] {strides = array<i32>} : memref<8x2048xf32, #tpu.memory_space<vmem>>, vector<16xf32>,
      tpu.vector_store %arg7[%parallel_loop3A_139, %parallel_loop3A_140], %parallel_loop3A_135 {strides = array<i32>} : memref<8x2048xf32, #tpu.memory_space<vmem>>, vector<16xf32>,
      %parallel_loop3A_142 = arith.constant 7168 : i32
      %parallel_loop3A_143 = vector.broadcast %parallel_loop3A_142 : i32 to vector<16xi32>
      %parallel_loop3A_144 = arith.addi %parallel_loop3A_71, %parallel_loop3A_143 : vector<16xi32>
      %parallel_loop3A_145 = tpu.vector_load_idx %arg6[%parallel_loop3A_144] : memref<8192xf32, #tpu.memory_space<vmem>>[vector<16xi32>], vector<16xf32>,
      %parallel_loop3A_146 = arith.constant 16 : i32
      %parallel_loop3A_147 = arith.muli %parallel_loop3A_67, %parallel_loop3A_146 : i32
      %parallel_loop3A_148 = arith.constant 7 : i32
      %parallel_loop3A_149 = arith.index_cast %parallel_loop3A_148 : i32 to index
      %parallel_loop3A_150 = arith.index_cast %parallel_loop3A_147 : i32 to index
      %parallel_loop3A_151 = tpu.vector_load %arg7[%parallel_loop3A_149, %parallel_loop3A_150] {strides = array<i32>} : memref<8x2048xf32, #tpu.memory_space<vmem>>, vector<16xf32>,
      tpu.vector_store %arg7[%parallel_loop3A_149, %parallel_loop3A_150], %parallel_loop3A_145 {strides = array<i32>} : memref<8x2048xf32, #tpu.memory_space<vmem>>, vector<16xf32>,
    } {sc.loop_unroll_factor = 4 : i64, sc.parallel_access}
    "tpu.region"() ({
      %run_scoped3A = tpu.sem_alloc : memref<!tpu.dma_semaphore, #tpu.memory_space<semaphore_mem>>
      %dma_start3A = arith.constant 0 : i32
      %dma_start3A_67 = arith.constant 0 : i32
      %dma_start3A_68 = tpu.memref_slice %arg7[%dma_start3A, %dma_start3A_67] : memref<8x2048xf32, #tpu.memory_space<vmem>> -> memref<8x1024xf32, #tpu.memory_space<vmem>>
      %dma_start3A_69 = arith.constant 0 : i32
      %dma_start3A_70 = tpu.memref_slice %arg4[%mul3A_60, %mul3A_11, %dma_start3A_69] : memref<8x64x1024xf32, #tpu.memory_space<hbm>> -> memref<1x8x1024xf32, #tpu.memory_space<hbm>>
      %dma_start3A_71 = tpu.memref_squeeze %dma_start3A_70 : memref<1x8x1024xf32, #tpu.memory_space<hbm>> -> memref<8x1024xf32, #tpu.memory_space<hbm>>
      %dma_start3A_72 = arith.constant 0 : i32
      %dma_start3A_73 = tpu.memref_slice %arg4[%mul3A_60, %mul3A_11, %dma_start3A_72] : memref<8x64x1024xf32, #tpu.memory_space<hbm>> -> memref<1x8x1024xf32, #tpu.memory_space<hbm>>
      %dma_start3A_74 = tpu.memref_squeeze %dma_start3A_73 : memref<1x8x1024xf32, #tpu.memory_space<hbm>> -> memref<8x1024xf32, #tpu.memory_space<hbm>>
      %dma_start3A_75 = arith.constant 0 : i32
      %dma_start3A_76 = arith.constant 0 : i32
      %dma_start3A_77 = tpu.memref_slice %arg7[%dma_start3A_75, %dma_start3A_76] : memref<8x2048xf32, #tpu.memory_space<vmem>> -> memref<8x1024xf32, #tpu.memory_space<vmem>>
      tpu.enqueue_dma source(%dma_start3A_77 : memref<8x1024xf32, #tpu.memory_space<vmem>>) target(%dma_start3A_74 : memref<8x1024xf32, #tpu.memory_space<hbm>>) target_semaphore(%run_scoped3A : memref<!tpu.dma_semaphore, #tpu.memory_space<semaphore_mem>>)
      %dma_wait3A = arith.constant 0 : i32
      %dma_wait3A_78 = arith.constant 0 : i32
      %dma_wait3A_79 = tpu.memref_slice %arg7[%dma_wait3A, %dma_wait3A_78] : memref<8x2048xf32, #tpu.memory_space<vmem>> -> memref<8x1024xf32, #tpu.memory_space<vmem>>
      %dma_wait3A_80 = arith.constant 0 : i32
      %dma_wait3A_81 = tpu.memref_slice %arg4[%mul3A_60, %mul3A_11, %dma_wait3A_80] : memref<8x64x1024xf32, #tpu.memory_space<hbm>> -> memref<1x8x1024xf32, #tpu.memory_space<hbm>>
      %dma_wait3A_82 = tpu.memref_squeeze %dma_wait3A_81 : memref<1x8x1024xf32, #tpu.memory_space<hbm>> -> memref<8x1024xf32, #tpu.memory_space<hbm>>
      %dma_wait3A_83 = arith.constant 0 : i32
      %dma_wait3A_84 = tpu.memref_slice %arg4[%mul3A_60, %mul3A_11, %dma_wait3A_83] : memref<8x64x1024xf32, #tpu.memory_space<hbm>> -> memref<1x8x1024xf32, #tpu.memory_space<hbm>>
      %dma_wait3A_85 = tpu.memref_squeeze %dma_wait3A_84 : memref<1x8x1024xf32, #tpu.memory_space<hbm>> -> memref<8x1024xf32, #tpu.memory_space<hbm>>
      %dma_wait3A_86 = arith.constant 0 : i32
      %dma_wait3A_87 = arith.constant 0 : i32
      %dma_wait3A_88 = tpu.memref_slice %arg7[%dma_wait3A_86, %dma_wait3A_87] : memref<8x2048xf32, #tpu.memory_space<vmem>> -> memref<8x1024xf32, #tpu.memory_space<vmem>>
      tpu.wait_dma2 semaphore(%run_scoped3A : memref<!tpu.dma_semaphore, #tpu.memory_space<semaphore_mem>>) src(%dma_wait3A_88 : memref<8x1024xf32, #tpu.memory_space<vmem>>) dst(%dma_wait3A_85 : memref<8x1024xf32, #tpu.memory_space<hbm>>)
      tpu.yield
    }) : () -> ()
    %add3A_65 = arith.constant 1 : i32
    %add3A_66 = arith.addi %mul3A_60, %add3A_65 : i32
    "tpu.region"() ({
      %run_scoped3A = tpu.sem_alloc : memref<!tpu.dma_semaphore, #tpu.memory_space<semaphore_mem>>
      %dma_start3A = arith.constant 0 : i32
      %dma_start3A_67 = arith.constant 1024 : i32
      %dma_start3A_68 = tpu.memref_slice %arg7[%dma_start3A, %dma_start3A_67] : memref<8x2048xf32, #tpu.memory_space<vmem>> -> memref<8x1024xf32, #tpu.memory_space<vmem>>
      %dma_start3A_69 = arith.constant 0 : i32
      %dma_start3A_70 = tpu.memref_slice %arg4[%add3A_66, %mul3A_11, %dma_start3A_69] : memref<8x64x1024xf32, #tpu.memory_space<hbm>> -> memref<1x8x1024xf32, #tpu.memory_space<hbm>>
      %dma_start3A_71 = tpu.memref_squeeze %dma_start3A_70 : memref<1x8x1024xf32, #tpu.memory_space<hbm>> -> memref<8x1024xf32, #tpu.memory_space<hbm>>
      %dma_start3A_72 = arith.constant 0 : i32
      %dma_start3A_73 = tpu.memref_slice %arg4[%add3A_66, %mul3A_11, %dma_start3A_72] : memref<8x64x1024xf32, #tpu.memory_space<hbm>> -> memref<1x8x1024xf32, #tpu.memory_space<hbm>>
      %dma_start3A_74 = tpu.memref_squeeze %dma_start3A_73 : memref<1x8x1024xf32, #tpu.memory_space<hbm>> -> memref<8x1024xf32, #tpu.memory_space<hbm>>
      %dma_start3A_75 = arith.constant 0 : i32
      %dma_start3A_76 = arith.constant 1024 : i32
      %dma_start3A_77 = tpu.memref_slice %arg7[%dma_start3A_75, %dma_start3A_76] : memref<8x2048xf32, #tpu.memory_space<vmem>> -> memref<8x1024xf32, #tpu.memory_space<vmem>>
      tpu.enqueue_dma source(%dma_start3A_77 : memref<8x1024xf32, #tpu.memory_space<vmem>>) target(%dma_start3A_74 : memref<8x1024xf32, #tpu.memory_space<hbm>>) target_semaphore(%run_scoped3A : memref<!tpu.dma_semaphore, #tpu.memory_space<semaphore_mem>>)
      %dma_wait3A = arith.constant 0 : i32
      %dma_wait3A_78 = arith.constant 1024 : i32
      %dma_wait3A_79 = tpu.memref_slice %arg7[%dma_wait3A, %dma_wait3A_78] : memref<8x2048xf32, #tpu.memory_space<vmem>> -> memref<8x1024xf32, #tpu.memory_space<vmem>>
      %dma_wait3A_80 = arith.constant 0 : i32
      %dma_wait3A_81 = tpu.memref_slice %arg4[%add3A_66, %mul3A_11, %dma_wait3A_80] : memref<8x64x1024xf32, #tpu.memory_space<hbm>> -> memref<1x8x1024xf32, #tpu.memory_space<hbm>>
      %dma_wait3A_82 = tpu.memref_squeeze %dma_wait3A_81 : memref<1x8x1024xf32, #tpu.memory_space<hbm>> -> memref<8x1024xf32, #tpu.memory_space<hbm>>
      %dma_wait3A_83 = arith.constant 0 : i32
      %dma_wait3A_84 = tpu.memref_slice %arg4[%add3A_66, %mul3A_11, %dma_wait3A_83] : memref<8x64x1024xf32, #tpu.memory_space<hbm>> -> memref<1x8x1024xf32, #tpu.memory_space<hbm>>
      %dma_wait3A_85 = tpu.memref_squeeze %dma_wait3A_84 : memref<1x8x1024xf32, #tpu.memory_space<hbm>> -> memref<8x1024xf32, #tpu.memory_space<hbm>>
      %dma_wait3A_86 = arith.constant 0 : i32
      %dma_wait3A_87 = arith.constant 1024 : i32
      %dma_wait3A_88 = tpu.memref_slice %arg7[%dma_wait3A_86, %dma_wait3A_87] : memref<8x2048xf32, #tpu.memory_space<vmem>> -> memref<8x1024xf32, #tpu.memory_space<vmem>>
      tpu.wait_dma2 semaphore(%run_scoped3A : memref<!tpu.dma_semaphore, #tpu.memory_space<semaphore_mem>>) src(%dma_wait3A_88 : memref<8x1024xf32, #tpu.memory_space<vmem>>) dst(%dma_wait3A_85 : memref<8x1024xf32, #tpu.memory_space<hbm>>)
      tpu.yield
    }) : () -> ()
    return
  }
}

module attributes {stable_mosaic.version = 14 : i64} {
  func.func @_dist_kernel(%arg0: i32, %arg1: memref<1x4x64x1024xf32, #tpu.memory_space<vmem>>, %arg2: memref<1024x64xf32, #tpu.memory_space<vmem>>, %arg3: memref<1x4x1024xi32, #tpu.memory_space<vmem>>, %arg4: memref<1x1xf32, #tpu.memory_space<smem>>, %arg5: memref<1x1xf32, #tpu.memory_space<smem>>, %arg6: memref<1x1024xf32, #tpu.memory_space<vmem>>, %arg7: memref<1x1xf32, #tpu.memory_space<smem>>) attributes {dimension_semantics = [#tpu.dimension_semantics<arbitrary>], iteration_bounds = array<i64: 2>, scalar_prefetch = 0 : i64, scratch_operands = 2 : i64, tpu.core_type = #tpu.core_type<tc>, window_params = [{transform_indices = @transform_0, window_bounds = array<i64: 1, 4, 64, 1024>}, {pipeline_mode = #tpu.pipeline_mode<synchronous>, transform_indices = @transform_1, window_bounds = array<i64: 1024, 64>}, {transform_indices = @transform_2, window_bounds = array<i64: 1, 4, 1024>}, {transform_indices = @transform_3, window_bounds = array<i64: 1, 1>}, {transform_indices = @transform_4, window_bounds = array<i64: 1, 1>}]} {
    %get3A = arith.constant 0 : index
    %get3A_0 = arith.constant 0 : index
    %get3A_1 = vector.load %arg2[%get3A, %get3A_0] : memref<1024x64xf32, #tpu.memory_space<vmem>>, vector<1024x64xf32>
    %mul3A = arith.mulf %get3A_1, %get3A_1 : vector<1024x64xf32>
    %transpose3A = tpu.transpose %mul3A, [1, 0] : vector<1024x64xf32> -> vector<64x1024xf32>
    %reduce_sum3A = arith.constant dense<0.000000e+00> : vector<1024xf32>
    %reduce_sum3A_2 = vector.multi_reduction <add>, %transpose3A, %reduce_sum3A [0] : vector<64x1024xf32> to vector<1024xf32>
    %eq3A = arith.constant 0 : i32
    %eq3A_3 = arith.cmpi eq, %arg0, %eq3A : i32
    %convert_element_type3A = arith.extui %eq3A_3 : i1 to i32
    %cond3A = arith.constant 0 : i32
    %cond3A_4 = arith.cmpi ne, %convert_element_type3A, %cond3A : i32
    scf.if %cond3A_4 {
      %broadcast_in_dim3A_266 = arith.constant 0.000000e+00 : f32
      %broadcast_in_dim3A_267 = vector.broadcast %broadcast_in_dim3A_266 : f32 to vector<1x1024xf32>
      %swap3A_268 = arith.constant 0 : index
      %swap3A_269 = arith.constant 0 : index
      %swap3A_270 = vector.load %arg6[%swap3A_268, %swap3A_269] : memref<1x1024xf32, #tpu.memory_space<vmem>>, vector<1x1024xf32>
      tpu.vector_store %arg6[%swap3A_268, %swap3A_269], %broadcast_in_dim3A_267 {strides = array<i32>} : memref<1x1024xf32, #tpu.memory_space<vmem>>, vector<1x1024xf32>,
      %swap3A_271 = arith.constant 0.000000e+00 : f32
      %swap3A_272 = arith.constant 0 : index
      %swap3A_273 = arith.constant 0 : index
      %swap3A_274 = memref.load %arg7[%swap3A_272, %swap3A_273] : memref<1x1xf32, #tpu.memory_space<smem>>
      memref.store %swap3A_271, %arg7[%swap3A_272, %swap3A_273] : memref<1x1xf32, #tpu.memory_space<smem>>
    } else {
    }
    %iota3A = tpu.iota {dimensions = array<i32: 1>} : vector<1024x1024xi32>
    %get3A_5 = arith.constant 0 : index
    %get3A_6 = arith.constant 0 : index
    %get3A_7 = arith.constant 0 : index
    %get3A_8 = arith.constant 0 : index
    %get3A_9 = vector.load %arg1[%get3A_5, %get3A_6, %get3A_7, %get3A_8] : memref<1x4x64x1024xf32, #tpu.memory_space<vmem>>, vector<1x1x64x1024xf32>
    %get3A_10 = vector.shape_cast %get3A_9 : vector<1x1x64x1024xf32> to vector<64x1024xf32>
    %transpose3A_11 = tpu.transpose %get3A_10, [1, 0] : vector<64x1024xf32> -> vector<1024x64xf32>
    %mul3A_12 = arith.mulf %get3A_10, %get3A_10 : vector<64x1024xf32>
    %reduce_sum3A_13 = arith.constant dense<0.000000e+00> : vector<1024xf32>
    %reduce_sum3A_14 = vector.multi_reduction <add>, %mul3A_12, %reduce_sum3A_13 [0] : vector<64x1024xf32> to vector<1024xf32>
    %broadcast_in_dim3A = vector.shape_cast %reduce_sum3A_14 : vector<1024xf32> to vector<1024x1xf32>
    %dot_general3A = arith.constant dense<0.000000e+00> : vector<1024x1024xf32>
    %dot_general3A_15 = tpu.matmul %transpose3A_11, %get3A_1, %dot_general3A {dimension_numbers = #tpu.dot_dimension_numbers<[1], [1], [0], [0], [0, 0, 1, 0], [], []>, transpose_lhs_hint = false} : vector<1024x64xf32>, vector<1024x64xf32>, vector<1024x1024xf32> -> vector<1024x1024xf32>
    %broadcast_in_dim3A_16 = vector.shape_cast %reduce_sum3A_2 : vector<1024xf32> to vector<1x1024xf32>
    %add3A = vector.broadcast %broadcast_in_dim3A : vector<1024x1xf32> to vector<1024x1024xf32>
    %add3A_17 = vector.broadcast %broadcast_in_dim3A_16 : vector<1x1024xf32> to vector<1024x1024xf32>
    %add3A_18 = arith.addf %add3A, %add3A_17 : vector<1024x1024xf32>
    %mul3A_19 = arith.constant 2.000000e+00 : f32
    %mul3A_20 = vector.broadcast %mul3A_19 : f32 to vector<1024x1024xf32>
    %mul3A_21 = arith.mulf %mul3A_20, %dot_general3A_15 : vector<1024x1024xf32>
    %sub3A = arith.subf %add3A_18, %mul3A_21 : vector<1024x1024xf32>
    %reduce_min3A = arith.constant dense<0x7F800000> : vector<1024xf32>
    %reduce_min3A_22 = vector.multi_reduction <minimumf>, %sub3A, %reduce_min3A [1] : vector<1024x1024xf32> to vector<1024xf32>
    %broadcast_in_dim3A_23 = vector.shape_cast %reduce_min3A_22 : vector<1024xf32> to vector<1024x1xf32>
    %eq3A_24 = vector.broadcast %broadcast_in_dim3A_23 : vector<1024x1xf32> to vector<1024x1024xf32>
    %eq3A_25 = arith.cmpf oeq, %sub3A, %eq3A_24 : vector<1024x1024xf32>
    %jit3A = arith.constant 1024 : i32
    %broadcast_in_dim3A_26 = vector.broadcast %jit3A : i32 to vector<1024x1024xi32>
    %select_n3A = arith.select %eq3A_25, %iota3A, %broadcast_in_dim3A_26 : vector<1024x1024xi1>, vector<1024x1024xi32>
    %reduce_min3A_27 = arith.constant dense<2147483647> : vector<1024xi32>
    %reduce_min3A_28 = vector.multi_reduction <minsi>, %select_n3A, %reduce_min3A_27 [1] : vector<1024x1024xi32> to vector<1024xi32>
    %swap3A = arith.constant 0 : index
    %swap3A_29 = arith.constant 0 : index
    %swap3A_30 = arith.constant 0 : index
    %swap3A_31 = vector.load %arg3[%swap3A, %swap3A_29, %swap3A_30] : memref<1x4x1024xi32, #tpu.memory_space<vmem>>, vector<1x1x1024xi32>
    %swap3A_32 = vector.shape_cast %swap3A_31 : vector<1x1x1024xi32> to vector<1024xi32>
    %swap3A_33 = vector.shape_cast %reduce_min3A_28 : vector<1024xi32> to vector<1x1x1024xi32>
    tpu.vector_store %arg3[%swap3A, %swap3A_29, %swap3A_30], %swap3A_33 {strides = array<i32>} : memref<1x4x1024xi32, #tpu.memory_space<vmem>>, vector<1x1x1024xi32>,
    %get3A_34 = arith.constant 0 : index
    %get3A_35 = arith.constant 0 : index
    %get3A_36 = memref.load %arg7[%get3A_34, %get3A_35] : memref<1x1xf32, #tpu.memory_space<smem>>
    %reduce_sum3A_37 = vector.shape_cast %broadcast_in_dim3A_23 : vector<1024x1xf32> to vector<1x1024x1xf32>
    %reduce_sum3A_38 = arith.constant dense<0.000000e+00> : vector<1xf32>
    %reduce_sum3A_39 = vector.multi_reduction <add>, %reduce_sum3A_37, %reduce_sum3A_38 [1, 2] : vector<1x1024x1xf32> to vector<1xf32>
    %reduce_sum3A_40 = vector.shape_cast %reduce_sum3A_39 : vector<1xf32> to vector<1x1x1xf32>
    %reduce_sum3A_41 = vector.extract %reduce_sum3A_40[0, 0, 0] : f32 from vector<1x1x1xf32>
    %add3A_42 = arith.addf %get3A_36, %reduce_sum3A_41 : f32
    %swap3A_43 = arith.constant 0 : index
    %swap3A_44 = arith.constant 0 : index
    %swap3A_45 = memref.load %arg7[%swap3A_43, %swap3A_44] : memref<1x1xf32, #tpu.memory_space<smem>>
    memref.store %add3A_42, %arg7[%swap3A_43, %swap3A_44] : memref<1x1xf32, #tpu.memory_space<smem>>
    %get3A_46 = arith.constant 0 : index
    %get3A_47 = arith.constant 0 : index
    %get3A_48 = vector.load %arg6[%get3A_46, %get3A_47] : memref<1x1024xf32, #tpu.memory_space<vmem>>, vector<1x1024xf32>
    %get3A_49 = vector.shape_cast %get3A_48 : vector<1x1024xf32> to vector<1024xf32>
    %broadcast_in_dim3A_50 = vector.shape_cast %reduce_min3A_28 : vector<1024xi32> to vector<1024x1xi32>
    %eq3A_51 = vector.broadcast %broadcast_in_dim3A_50 : vector<1024x1xi32> to vector<1024x1024xi32>
    %eq3A_52 = arith.cmpi eq, %iota3A, %eq3A_51 : vector<1024x1024xi32>
    %convert_element_type3A_53 = arith.extui %eq3A_52 : vector<1024x1024xi1> to vector<1024x1024xi32>
    %convert_element_type3A_54 = arith.sitofp %convert_element_type3A_53 : vector<1024x1024xi32> to vector<1024x1024xf32>
    %reduce_sum3A_55 = arith.constant dense<0.000000e+00> : vector<1024xf32>
    %reduce_sum3A_56 = vector.multi_reduction <add>, %convert_element_type3A_54, %reduce_sum3A_55 [0] : vector<1024x1024xf32> to vector<1024xf32>
    %add3A_57 = arith.addf %get3A_49, %reduce_sum3A_56 : vector<1024xf32>
    %swap3A_58 = arith.constant 0 : index
    %swap3A_59 = arith.constant 0 : index
    %swap3A_60 = vector.load %arg6[%swap3A_58, %swap3A_59] : memref<1x1024xf32, #tpu.memory_space<vmem>>, vector<1x1024xf32>
    %swap3A_61 = vector.shape_cast %swap3A_60 : vector<1x1024xf32> to vector<1024xf32>
    %swap3A_62 = vector.shape_cast %add3A_57 : vector<1024xf32> to vector<1x1024xf32>
    tpu.vector_store %arg6[%swap3A_58, %swap3A_59], %swap3A_62 {strides = array<i32>} : memref<1x1024xf32, #tpu.memory_space<vmem>>, vector<1x1024xf32>,
    %get3A_63 = arith.constant 0 : index
    %get3A_64 = arith.constant 1 : index
    %get3A_65 = arith.constant 0 : index
    %get3A_66 = arith.constant 0 : index
    %get3A_67 = vector.load %arg1[%get3A_63, %get3A_64, %get3A_65, %get3A_66] : memref<1x4x64x1024xf32, #tpu.memory_space<vmem>>, vector<1x1x64x1024xf32>
    %get3A_68 = vector.shape_cast %get3A_67 : vector<1x1x64x1024xf32> to vector<64x1024xf32>
    %transpose3A_69 = tpu.transpose %get3A_68, [1, 0] : vector<64x1024xf32> -> vector<1024x64xf32>
    %mul3A_70 = arith.mulf %get3A_68, %get3A_68 : vector<64x1024xf32>
    %reduce_sum3A_71 = arith.constant dense<0.000000e+00> : vector<1024xf32>
    %reduce_sum3A_72 = vector.multi_reduction <add>, %mul3A_70, %reduce_sum3A_71 [0] : vector<64x1024xf32> to vector<1024xf32>
    %broadcast_in_dim3A_73 = vector.shape_cast %reduce_sum3A_72 : vector<1024xf32> to vector<1024x1xf32>
    %dot_general3A_74 = arith.constant dense<0.000000e+00> : vector<1024x1024xf32>
    %dot_general3A_75 = tpu.matmul %transpose3A_69, %get3A_1, %dot_general3A_74 {dimension_numbers = #tpu.dot_dimension_numbers<[1], [1], [0], [0], [0, 0, 1, 0], [], []>, transpose_lhs_hint = false} : vector<1024x64xf32>, vector<1024x64xf32>, vector<1024x1024xf32> -> vector<1024x1024xf32>
    %broadcast_in_dim3A_76 = vector.shape_cast %reduce_sum3A_2 : vector<1024xf32> to vector<1x1024xf32>
    %add3A_77 = vector.broadcast %broadcast_in_dim3A_73 : vector<1024x1xf32> to vector<1024x1024xf32>
    %add3A_78 = vector.broadcast %broadcast_in_dim3A_76 : vector<1x1024xf32> to vector<1024x1024xf32>
    %add3A_79 = arith.addf %add3A_77, %add3A_78 : vector<1024x1024xf32>
    %mul3A_80 = arith.constant 2.000000e+00 : f32
    %mul3A_81 = vector.broadcast %mul3A_80 : f32 to vector<1024x1024xf32>
    %mul3A_82 = arith.mulf %mul3A_81, %dot_general3A_75 : vector<1024x1024xf32>
    %sub3A_83 = arith.subf %add3A_79, %mul3A_82 : vector<1024x1024xf32>
    %reduce_min3A_84 = arith.constant dense<0x7F800000> : vector<1024xf32>
    %reduce_min3A_85 = vector.multi_reduction <minimumf>, %sub3A_83, %reduce_min3A_84 [1] : vector<1024x1024xf32> to vector<1024xf32>
    %broadcast_in_dim3A_86 = vector.shape_cast %reduce_min3A_85 : vector<1024xf32> to vector<1024x1xf32>
    %eq3A_87 = vector.broadcast %broadcast_in_dim3A_86 : vector<1024x1xf32> to vector<1024x1024xf32>
    %eq3A_88 = arith.cmpf oeq, %sub3A_83, %eq3A_87 : vector<1024x1024xf32>
    %jit3A_89 = arith.constant 1024 : i32
    %broadcast_in_dim3A_90 = vector.broadcast %jit3A_89 : i32 to vector<1024x1024xi32>
    %select_n3A_91 = arith.select %eq3A_88, %iota3A, %broadcast_in_dim3A_90 : vector<1024x1024xi1>, vector<1024x1024xi32>
    %reduce_min3A_92 = arith.constant dense<2147483647> : vector<1024xi32>
    %reduce_min3A_93 = vector.multi_reduction <minsi>, %select_n3A_91, %reduce_min3A_92 [1] : vector<1024x1024xi32> to vector<1024xi32>
    %swap3A_94 = arith.constant 0 : index
    %swap3A_95 = arith.constant 1 : index
    %swap3A_96 = arith.constant 0 : index
    %swap3A_97 = vector.load %arg3[%swap3A_94, %swap3A_95, %swap3A_96] : memref<1x4x1024xi32, #tpu.memory_space<vmem>>, vector<1x1x1024xi32>
    %swap3A_98 = vector.shape_cast %swap3A_97 : vector<1x1x1024xi32> to vector<1024xi32>
    %swap3A_99 = vector.shape_cast %reduce_min3A_93 : vector<1024xi32> to vector<1x1x1024xi32>
    tpu.vector_store %arg3[%swap3A_94, %swap3A_95, %swap3A_96], %swap3A_99 {strides = array<i32>} : memref<1x4x1024xi32, #tpu.memory_space<vmem>>, vector<1x1x1024xi32>,
    %get3A_100 = arith.constant 0 : index
    %get3A_101 = arith.constant 0 : index
    %get3A_102 = memref.load %arg7[%get3A_100, %get3A_101] : memref<1x1xf32, #tpu.memory_space<smem>>
    %reduce_sum3A_103 = vector.shape_cast %broadcast_in_dim3A_86 : vector<1024x1xf32> to vector<1x1024x1xf32>
    %reduce_sum3A_104 = arith.constant dense<0.000000e+00> : vector<1xf32>
    %reduce_sum3A_105 = vector.multi_reduction <add>, %reduce_sum3A_103, %reduce_sum3A_104 [1, 2] : vector<1x1024x1xf32> to vector<1xf32>
    %reduce_sum3A_106 = vector.shape_cast %reduce_sum3A_105 : vector<1xf32> to vector<1x1x1xf32>
    %reduce_sum3A_107 = vector.extract %reduce_sum3A_106[0, 0, 0] : f32 from vector<1x1x1xf32>
    %add3A_108 = arith.addf %get3A_102, %reduce_sum3A_107 : f32
    %swap3A_109 = arith.constant 0 : index
    %swap3A_110 = arith.constant 0 : index
    %swap3A_111 = memref.load %arg7[%swap3A_109, %swap3A_110] : memref<1x1xf32, #tpu.memory_space<smem>>
    memref.store %add3A_108, %arg7[%swap3A_109, %swap3A_110] : memref<1x1xf32, #tpu.memory_space<smem>>
    %get3A_112 = arith.constant 0 : index
    %get3A_113 = arith.constant 0 : index
    %get3A_114 = vector.load %arg6[%get3A_112, %get3A_113] : memref<1x1024xf32, #tpu.memory_space<vmem>>, vector<1x1024xf32>
    %get3A_115 = vector.shape_cast %get3A_114 : vector<1x1024xf32> to vector<1024xf32>
    %broadcast_in_dim3A_116 = vector.shape_cast %reduce_min3A_93 : vector<1024xi32> to vector<1024x1xi32>
    %eq3A_117 = vector.broadcast %broadcast_in_dim3A_116 : vector<1024x1xi32> to vector<1024x1024xi32>
    %eq3A_118 = arith.cmpi eq, %iota3A, %eq3A_117 : vector<1024x1024xi32>
    %convert_element_type3A_119 = arith.extui %eq3A_118 : vector<1024x1024xi1> to vector<1024x1024xi32>
    %convert_element_type3A_120 = arith.sitofp %convert_element_type3A_119 : vector<1024x1024xi32> to vector<1024x1024xf32>
    %reduce_sum3A_121 = arith.constant dense<0.000000e+00> : vector<1024xf32>
    %reduce_sum3A_122 = vector.multi_reduction <add>, %convert_element_type3A_120, %reduce_sum3A_121 [0] : vector<1024x1024xf32> to vector<1024xf32>
    %add3A_123 = arith.addf %get3A_115, %reduce_sum3A_122 : vector<1024xf32>
    %swap3A_124 = arith.constant 0 : index
    %swap3A_125 = arith.constant 0 : index
    %swap3A_126 = vector.load %arg6[%swap3A_124, %swap3A_125] : memref<1x1024xf32, #tpu.memory_space<vmem>>, vector<1x1024xf32>
    %swap3A_127 = vector.shape_cast %swap3A_126 : vector<1x1024xf32> to vector<1024xf32>
    %swap3A_128 = vector.shape_cast %add3A_123 : vector<1024xf32> to vector<1x1024xf32>
    tpu.vector_store %arg6[%swap3A_124, %swap3A_125], %swap3A_128 {strides = array<i32>} : memref<1x1024xf32, #tpu.memory_space<vmem>>, vector<1x1024xf32>,
    %get3A_129 = arith.constant 0 : index
    %get3A_130 = arith.constant 2 : index
    %get3A_131 = arith.constant 0 : index
    %get3A_132 = arith.constant 0 : index
    %get3A_133 = vector.load %arg1[%get3A_129, %get3A_130, %get3A_131, %get3A_132] : memref<1x4x64x1024xf32, #tpu.memory_space<vmem>>, vector<1x1x64x1024xf32>
    %get3A_134 = vector.shape_cast %get3A_133 : vector<1x1x64x1024xf32> to vector<64x1024xf32>
    %transpose3A_135 = tpu.transpose %get3A_134, [1, 0] : vector<64x1024xf32> -> vector<1024x64xf32>
    %mul3A_136 = arith.mulf %get3A_134, %get3A_134 : vector<64x1024xf32>
    %reduce_sum3A_137 = arith.constant dense<0.000000e+00> : vector<1024xf32>
    %reduce_sum3A_138 = vector.multi_reduction <add>, %mul3A_136, %reduce_sum3A_137 [0] : vector<64x1024xf32> to vector<1024xf32>
    %broadcast_in_dim3A_139 = vector.shape_cast %reduce_sum3A_138 : vector<1024xf32> to vector<1024x1xf32>
    %dot_general3A_140 = arith.constant dense<0.000000e+00> : vector<1024x1024xf32>
    %dot_general3A_141 = tpu.matmul %transpose3A_135, %get3A_1, %dot_general3A_140 {dimension_numbers = #tpu.dot_dimension_numbers<[1], [1], [0], [0], [0, 0, 1, 0], [], []>, transpose_lhs_hint = false} : vector<1024x64xf32>, vector<1024x64xf32>, vector<1024x1024xf32> -> vector<1024x1024xf32>
    %broadcast_in_dim3A_142 = vector.shape_cast %reduce_sum3A_2 : vector<1024xf32> to vector<1x1024xf32>
    %add3A_143 = vector.broadcast %broadcast_in_dim3A_139 : vector<1024x1xf32> to vector<1024x1024xf32>
    %add3A_144 = vector.broadcast %broadcast_in_dim3A_142 : vector<1x1024xf32> to vector<1024x1024xf32>
    %add3A_145 = arith.addf %add3A_143, %add3A_144 : vector<1024x1024xf32>
    %mul3A_146 = arith.constant 2.000000e+00 : f32
    %mul3A_147 = vector.broadcast %mul3A_146 : f32 to vector<1024x1024xf32>
    %mul3A_148 = arith.mulf %mul3A_147, %dot_general3A_141 : vector<1024x1024xf32>
    %sub3A_149 = arith.subf %add3A_145, %mul3A_148 : vector<1024x1024xf32>
    %reduce_min3A_150 = arith.constant dense<0x7F800000> : vector<1024xf32>
    %reduce_min3A_151 = vector.multi_reduction <minimumf>, %sub3A_149, %reduce_min3A_150 [1] : vector<1024x1024xf32> to vector<1024xf32>
    %broadcast_in_dim3A_152 = vector.shape_cast %reduce_min3A_151 : vector<1024xf32> to vector<1024x1xf32>
    %eq3A_153 = vector.broadcast %broadcast_in_dim3A_152 : vector<1024x1xf32> to vector<1024x1024xf32>
    %eq3A_154 = arith.cmpf oeq, %sub3A_149, %eq3A_153 : vector<1024x1024xf32>
    %jit3A_155 = arith.constant 1024 : i32
    %broadcast_in_dim3A_156 = vector.broadcast %jit3A_155 : i32 to vector<1024x1024xi32>
    %select_n3A_157 = arith.select %eq3A_154, %iota3A, %broadcast_in_dim3A_156 : vector<1024x1024xi1>, vector<1024x1024xi32>
    %reduce_min3A_158 = arith.constant dense<2147483647> : vector<1024xi32>
    %reduce_min3A_159 = vector.multi_reduction <minsi>, %select_n3A_157, %reduce_min3A_158 [1] : vector<1024x1024xi32> to vector<1024xi32>
    %swap3A_160 = arith.constant 0 : index
    %swap3A_161 = arith.constant 2 : index
    %swap3A_162 = arith.constant 0 : index
    %swap3A_163 = vector.load %arg3[%swap3A_160, %swap3A_161, %swap3A_162] : memref<1x4x1024xi32, #tpu.memory_space<vmem>>, vector<1x1x1024xi32>
    %swap3A_164 = vector.shape_cast %swap3A_163 : vector<1x1x1024xi32> to vector<1024xi32>
    %swap3A_165 = vector.shape_cast %reduce_min3A_159 : vector<1024xi32> to vector<1x1x1024xi32>
    tpu.vector_store %arg3[%swap3A_160, %swap3A_161, %swap3A_162], %swap3A_165 {strides = array<i32>} : memref<1x4x1024xi32, #tpu.memory_space<vmem>>, vector<1x1x1024xi32>,
    %get3A_166 = arith.constant 0 : index
    %get3A_167 = arith.constant 0 : index
    %get3A_168 = memref.load %arg7[%get3A_166, %get3A_167] : memref<1x1xf32, #tpu.memory_space<smem>>
    %reduce_sum3A_169 = vector.shape_cast %broadcast_in_dim3A_152 : vector<1024x1xf32> to vector<1x1024x1xf32>
    %reduce_sum3A_170 = arith.constant dense<0.000000e+00> : vector<1xf32>
    %reduce_sum3A_171 = vector.multi_reduction <add>, %reduce_sum3A_169, %reduce_sum3A_170 [1, 2] : vector<1x1024x1xf32> to vector<1xf32>
    %reduce_sum3A_172 = vector.shape_cast %reduce_sum3A_171 : vector<1xf32> to vector<1x1x1xf32>
    %reduce_sum3A_173 = vector.extract %reduce_sum3A_172[0, 0, 0] : f32 from vector<1x1x1xf32>
    %add3A_174 = arith.addf %get3A_168, %reduce_sum3A_173 : f32
    %swap3A_175 = arith.constant 0 : index
    %swap3A_176 = arith.constant 0 : index
    %swap3A_177 = memref.load %arg7[%swap3A_175, %swap3A_176] : memref<1x1xf32, #tpu.memory_space<smem>>
    memref.store %add3A_174, %arg7[%swap3A_175, %swap3A_176] : memref<1x1xf32, #tpu.memory_space<smem>>
    %get3A_178 = arith.constant 0 : index
    %get3A_179 = arith.constant 0 : index
    %get3A_180 = vector.load %arg6[%get3A_178, %get3A_179] : memref<1x1024xf32, #tpu.memory_space<vmem>>, vector<1x1024xf32>
    %get3A_181 = vector.shape_cast %get3A_180 : vector<1x1024xf32> to vector<1024xf32>
    %broadcast_in_dim3A_182 = vector.shape_cast %reduce_min3A_159 : vector<1024xi32> to vector<1024x1xi32>
    %eq3A_183 = vector.broadcast %broadcast_in_dim3A_182 : vector<1024x1xi32> to vector<1024x1024xi32>
    %eq3A_184 = arith.cmpi eq, %iota3A, %eq3A_183 : vector<1024x1024xi32>
    %convert_element_type3A_185 = arith.extui %eq3A_184 : vector<1024x1024xi1> to vector<1024x1024xi32>
    %convert_element_type3A_186 = arith.sitofp %convert_element_type3A_185 : vector<1024x1024xi32> to vector<1024x1024xf32>
    %reduce_sum3A_187 = arith.constant dense<0.000000e+00> : vector<1024xf32>
    %reduce_sum3A_188 = vector.multi_reduction <add>, %convert_element_type3A_186, %reduce_sum3A_187 [0] : vector<1024x1024xf32> to vector<1024xf32>
    %add3A_189 = arith.addf %get3A_181, %reduce_sum3A_188 : vector<1024xf32>
    %swap3A_190 = arith.constant 0 : index
    %swap3A_191 = arith.constant 0 : index
    %swap3A_192 = vector.load %arg6[%swap3A_190, %swap3A_191] : memref<1x1024xf32, #tpu.memory_space<vmem>>, vector<1x1024xf32>
    %swap3A_193 = vector.shape_cast %swap3A_192 : vector<1x1024xf32> to vector<1024xf32>
    %swap3A_194 = vector.shape_cast %add3A_189 : vector<1024xf32> to vector<1x1024xf32>
    tpu.vector_store %arg6[%swap3A_190, %swap3A_191], %swap3A_194 {strides = array<i32>} : memref<1x1024xf32, #tpu.memory_space<vmem>>, vector<1x1024xf32>,
    %get3A_195 = arith.constant 0 : index
    %get3A_196 = arith.constant 3 : index
    %get3A_197 = arith.constant 0 : index
    %get3A_198 = arith.constant 0 : index
    %get3A_199 = vector.load %arg1[%get3A_195, %get3A_196, %get3A_197, %get3A_198] : memref<1x4x64x1024xf32, #tpu.memory_space<vmem>>, vector<1x1x64x1024xf32>
    %get3A_200 = vector.shape_cast %get3A_199 : vector<1x1x64x1024xf32> to vector<64x1024xf32>
    %transpose3A_201 = tpu.transpose %get3A_200, [1, 0] : vector<64x1024xf32> -> vector<1024x64xf32>
    %mul3A_202 = arith.mulf %get3A_200, %get3A_200 : vector<64x1024xf32>
    %reduce_sum3A_203 = arith.constant dense<0.000000e+00> : vector<1024xf32>
    %reduce_sum3A_204 = vector.multi_reduction <add>, %mul3A_202, %reduce_sum3A_203 [0] : vector<64x1024xf32> to vector<1024xf32>
    %broadcast_in_dim3A_205 = vector.shape_cast %reduce_sum3A_204 : vector<1024xf32> to vector<1024x1xf32>
    %dot_general3A_206 = arith.constant dense<0.000000e+00> : vector<1024x1024xf32>
    %dot_general3A_207 = tpu.matmul %transpose3A_201, %get3A_1, %dot_general3A_206 {dimension_numbers = #tpu.dot_dimension_numbers<[1], [1], [0], [0], [0, 0, 1, 0], [], []>, transpose_lhs_hint = false} : vector<1024x64xf32>, vector<1024x64xf32>, vector<1024x1024xf32> -> vector<1024x1024xf32>
    %broadcast_in_dim3A_208 = vector.shape_cast %reduce_sum3A_2 : vector<1024xf32> to vector<1x1024xf32>
    %add3A_209 = vector.broadcast %broadcast_in_dim3A_205 : vector<1024x1xf32> to vector<1024x1024xf32>
    %add3A_210 = vector.broadcast %broadcast_in_dim3A_208 : vector<1x1024xf32> to vector<1024x1024xf32>
    %add3A_211 = arith.addf %add3A_209, %add3A_210 : vector<1024x1024xf32>
    %mul3A_212 = arith.constant 2.000000e+00 : f32
    %mul3A_213 = vector.broadcast %mul3A_212 : f32 to vector<1024x1024xf32>
    %mul3A_214 = arith.mulf %mul3A_213, %dot_general3A_207 : vector<1024x1024xf32>
    %sub3A_215 = arith.subf %add3A_211, %mul3A_214 : vector<1024x1024xf32>
    %reduce_min3A_216 = arith.constant dense<0x7F800000> : vector<1024xf32>
    %reduce_min3A_217 = vector.multi_reduction <minimumf>, %sub3A_215, %reduce_min3A_216 [1] : vector<1024x1024xf32> to vector<1024xf32>
    %broadcast_in_dim3A_218 = vector.shape_cast %reduce_min3A_217 : vector<1024xf32> to vector<1024x1xf32>
    %eq3A_219 = vector.broadcast %broadcast_in_dim3A_218 : vector<1024x1xf32> to vector<1024x1024xf32>
    %eq3A_220 = arith.cmpf oeq, %sub3A_215, %eq3A_219 : vector<1024x1024xf32>
    %jit3A_221 = arith.constant 1024 : i32
    %broadcast_in_dim3A_222 = vector.broadcast %jit3A_221 : i32 to vector<1024x1024xi32>
    %select_n3A_223 = arith.select %eq3A_220, %iota3A, %broadcast_in_dim3A_222 : vector<1024x1024xi1>, vector<1024x1024xi32>
    %reduce_min3A_224 = arith.constant dense<2147483647> : vector<1024xi32>
    %reduce_min3A_225 = vector.multi_reduction <minsi>, %select_n3A_223, %reduce_min3A_224 [1] : vector<1024x1024xi32> to vector<1024xi32>
    %swap3A_226 = arith.constant 0 : index
    %swap3A_227 = arith.constant 3 : index
    %swap3A_228 = arith.constant 0 : index
    %swap3A_229 = vector.load %arg3[%swap3A_226, %swap3A_227, %swap3A_228] : memref<1x4x1024xi32, #tpu.memory_space<vmem>>, vector<1x1x1024xi32>
    %swap3A_230 = vector.shape_cast %swap3A_229 : vector<1x1x1024xi32> to vector<1024xi32>
    %swap3A_231 = vector.shape_cast %reduce_min3A_225 : vector<1024xi32> to vector<1x1x1024xi32>
    tpu.vector_store %arg3[%swap3A_226, %swap3A_227, %swap3A_228], %swap3A_231 {strides = array<i32>} : memref<1x4x1024xi32, #tpu.memory_space<vmem>>, vector<1x1x1024xi32>,
    %get3A_232 = arith.constant 0 : index
    %get3A_233 = arith.constant 0 : index
    %get3A_234 = memref.load %arg7[%get3A_232, %get3A_233] : memref<1x1xf32, #tpu.memory_space<smem>>
    %reduce_sum3A_235 = vector.shape_cast %broadcast_in_dim3A_218 : vector<1024x1xf32> to vector<1x1024x1xf32>
    %reduce_sum3A_236 = arith.constant dense<0.000000e+00> : vector<1xf32>
    %reduce_sum3A_237 = vector.multi_reduction <add>, %reduce_sum3A_235, %reduce_sum3A_236 [1, 2] : vector<1x1024x1xf32> to vector<1xf32>
    %reduce_sum3A_238 = vector.shape_cast %reduce_sum3A_237 : vector<1xf32> to vector<1x1x1xf32>
    %reduce_sum3A_239 = vector.extract %reduce_sum3A_238[0, 0, 0] : f32 from vector<1x1x1xf32>
    %add3A_240 = arith.addf %get3A_234, %reduce_sum3A_239 : f32
    %swap3A_241 = arith.constant 0 : index
    %swap3A_242 = arith.constant 0 : index
    %swap3A_243 = memref.load %arg7[%swap3A_241, %swap3A_242] : memref<1x1xf32, #tpu.memory_space<smem>>
    memref.store %add3A_240, %arg7[%swap3A_241, %swap3A_242] : memref<1x1xf32, #tpu.memory_space<smem>>
    %get3A_244 = arith.constant 0 : index
    %get3A_245 = arith.constant 0 : index
    %get3A_246 = vector.load %arg6[%get3A_244, %get3A_245] : memref<1x1024xf32, #tpu.memory_space<vmem>>, vector<1x1024xf32>
    %get3A_247 = vector.shape_cast %get3A_246 : vector<1x1024xf32> to vector<1024xf32>
    %broadcast_in_dim3A_248 = vector.shape_cast %reduce_min3A_225 : vector<1024xi32> to vector<1024x1xi32>
    %eq3A_249 = vector.broadcast %broadcast_in_dim3A_248 : vector<1024x1xi32> to vector<1024x1024xi32>
    %eq3A_250 = arith.cmpi eq, %iota3A, %eq3A_249 : vector<1024x1024xi32>
    %convert_element_type3A_251 = arith.extui %eq3A_250 : vector<1024x1024xi1> to vector<1024x1024xi32>
    %convert_element_type3A_252 = arith.sitofp %convert_element_type3A_251 : vector<1024x1024xi32> to vector<1024x1024xf32>
    %reduce_sum3A_253 = arith.constant dense<0.000000e+00> : vector<1024xf32>
    %reduce_sum3A_254 = vector.multi_reduction <add>, %convert_element_type3A_252, %reduce_sum3A_253 [0] : vector<1024x1024xf32> to vector<1024xf32>
    %add3A_255 = arith.addf %get3A_247, %reduce_sum3A_254 : vector<1024xf32>
    %swap3A_256 = arith.constant 0 : index
    %swap3A_257 = arith.constant 0 : index
    %swap3A_258 = vector.load %arg6[%swap3A_256, %swap3A_257] : memref<1x1024xf32, #tpu.memory_space<vmem>>, vector<1x1024xf32>
    %swap3A_259 = vector.shape_cast %swap3A_258 : vector<1x1024xf32> to vector<1024xf32>
    %swap3A_260 = vector.shape_cast %add3A_255 : vector<1024xf32> to vector<1x1024xf32>
    tpu.vector_store %arg6[%swap3A_256, %swap3A_257], %swap3A_260 {strides = array<i32>} : memref<1x1024xf32, #tpu.memory_space<vmem>>, vector<1x1024xf32>,
    %eq3A_261 = arith.constant 1 : i32
    %eq3A_262 = arith.cmpi eq, %arg0, %eq3A_261 : i32
    %convert_element_type3A_263 = arith.extui %eq3A_262 : i1 to i32
    %cond3A_264 = arith.constant 0 : i32
    %cond3A_265 = arith.cmpi ne, %convert_element_type3A_263, %cond3A_264 : i32
    scf.if %cond3A_265 {
      %get3A_266 = arith.constant 0 : index
      %get3A_267 = arith.constant 0 : index
      %get3A_268 = memref.load %arg7[%get3A_266, %get3A_267] : memref<1x1xf32, #tpu.memory_space<smem>>
      %div3A = arith.constant 5.242880e+05 : f32
      %div3A_269 = arith.divf %get3A_268, %div3A : f32
      %mul3A_270 = arith.constant 2.500000e-01 : f32
      %mul3A_271 = arith.mulf %mul3A_270, %div3A_269 : f32
      %add3A_272 = arith.addf %div3A_269, %mul3A_271 : f32
      %swap3A_273 = arith.constant 0 : index
      %swap3A_274 = arith.constant 0 : index
      %swap3A_275 = memref.load %arg4[%swap3A_273, %swap3A_274] : memref<1x1xf32, #tpu.memory_space<smem>>
      memref.store %add3A_272, %arg4[%swap3A_273, %swap3A_274] : memref<1x1xf32, #tpu.memory_space<smem>>
      %get3A_276 = arith.constant 0 : index
      %get3A_277 = arith.constant 0 : index
      %get3A_278 = vector.load %arg6[%get3A_276, %get3A_277] : memref<1x1024xf32, #tpu.memory_space<vmem>>, vector<1x1024xf32>
      %get3A_279 = vector.shape_cast %get3A_278 : vector<1x1024xf32> to vector<1024xf32>
      %mul3A_280 = arith.constant 1.22070313E-4 : f32
      %mul3A_281 = vector.broadcast %mul3A_280 : f32 to vector<1024xf32>
      %mul3A_282 = arith.mulf %get3A_279, %mul3A_281 : vector<1024xf32>
      %add3A_283 = arith.constant 1.000000e-10 : f32
      %add3A_284 = vector.broadcast %add3A_283 : f32 to vector<1024xf32>
      %add3A_285 = arith.addf %mul3A_282, %add3A_284 : vector<1024xf32>
      %log3A = math.log %add3A_285 : vector<1024xf32>
      %mul3A_286 = arith.mulf %mul3A_282, %log3A : vector<1024xf32>
      %reduce_sum3A_287 = vector.shape_cast %mul3A_286 : vector<1024xf32> to vector<1x1024xf32>
      %reduce_sum3A_288 = arith.constant dense<0.000000e+00> : vector<1xf32>
      %reduce_sum3A_289 = vector.multi_reduction <add>, %reduce_sum3A_287, %reduce_sum3A_288 [1] : vector<1x1024xf32> to vector<1xf32>
      %reduce_sum3A_290 = vector.shape_cast %reduce_sum3A_289 : vector<1xf32> to vector<1x1xf32>
      %reduce_sum3A_291 = vector.extract %reduce_sum3A_290[0, 0] : f32 from vector<1x1xf32>
      %neg3A = arith.constant 0.000000e+00 : f32
      %neg3A_292 = arith.subf %neg3A, %reduce_sum3A_291 : f32
      %exp3A = math.exp %neg3A_292 : f32
      %swap3A_293 = arith.constant 0 : index
      %swap3A_294 = arith.constant 0 : index
      %swap3A_295 = memref.load %arg5[%swap3A_293, %swap3A_294] : memref<1x1xf32, #tpu.memory_space<smem>>
      memref.store %exp3A, %arg5[%swap3A_293, %swap3A_294] : memref<1x1xf32, #tpu.memory_space<smem>>
    } else {
    }
    return
  }
  func.func @transform_0(%arg0: i32) -> (i32, i32, i32, i32) {
    %c0_i32 = arith.constant 0 : i32
    %c0_i32_0 = arith.constant 0 : i32
    %c0_i32_1 = arith.constant 0 : i32
    %c0_i32_2 = arith.constant 0 : i32
    return %arg0, %c0_i32, %c0_i32_0, %c0_i32_1 : i32, i32, i32, i32
  }
  func.func @transform_1(%arg0: i32) -> (i32, i32) {
    %c0_i32 = arith.constant 0 : i32
    %c0_i32_0 = arith.constant 0 : i32
    %c0_i32_1 = arith.constant 0 : i32
    return %c0_i32, %c0_i32_0 : i32, i32
  }
  func.func @transform_2(%arg0: i32) -> (i32, i32, i32) {
    %c0_i32 = arith.constant 0 : i32
    %c0_i32_0 = arith.constant 0 : i32
    %c0_i32_1 = arith.constant 0 : i32
    return %arg0, %c0_i32, %c0_i32_0 : i32, i32, i32
  }
  func.func @transform_3(%arg0: i32) -> (i32, i32) {
    %c0_i32 = arith.constant 0 : i32
    %c0_i32_0 = arith.constant 0 : i32
    %c0_i32_1 = arith.constant 0 : i32
    return %c0_i32, %c0_i32_0 : i32, i32
  }
  func.func @transform_4(%arg0: i32) -> (i32, i32) {
    %c0_i32 = arith.constant 0 : i32
    %c0_i32_0 = arith.constant 0 : i32
    %c0_i32_1 = arith.constant 0 : i32
    return %c0_i32, %c0_i32_0 : i32, i32
  }
}

</mosaic_0001>

<sc_bundles>
// kernel: kernel.4.cloned.1.call-start
scs
__scs_entry_jumppad:
0x0: {  	(pc) =	sbr.rel $0x88, $3  }
0x1: {  	(tag) =	ssettag $0x0;
	lr =	simm.s32 $0x1  }
0x2: {  	[smem:$0x3F9F] =	sst lr;
	_ =	strace $0xD0000000  }
0x3: {  	_ = 	snop  }
0x4: {  	_ = 	snop  }
0x5: {  	_ = 	snop  }
0x6: {  	_ = 	snop  }
0x7: {  	_ = 	snop  }
__scs_overlays_trampoline_lowered:
0x8: {  	[smem:$0x3FAE] =	sst s0  }
0x9: {  	[smem:$0x3FAF] =	sst s1  }
0xa: {  	[smem:$0x3FB0] =	sst s2  }
0xb: {  	[smem:$0x3FB1] =	sst s3  }
0xc: {  	[smem:$0x3FB2] =	sst s4  }
0xd: {  	[smem:$0x3FB3] =	sst s5  }
0xe: {  	[smem:$0x3FB4] =	sst s6  }
0xf: {  	[smem:$0x3FB5] =	sst s7  }
0x10: {  	[smem:$0x3FB6] =	sst s8  }
0x11: {  	[smem:$0x3FB7] =	sst s9;
	s0 =	simm.s32 @!p0 $0x0  }
0x12: {  	s1 =	sld [smem:$0x3F9D];
	s0 =	simm.s32 @p0 $0x1  }
0x13: {  	[smem:$0x3FB8] =	sst s0;
	s0 =	simm.s32 @!p1 $0x0  }
0x14: {  	s2 =	sld [smem:$0x3F9C];
	s0 =	simm.s32 @p1 $0x1  }
0x15: {  	[smem:$0x3FB9] =	sst s0;
	s0 =	simm.s32 @!p2 $0x0  }
0x16: {  	s3 =	sld [smem:$0x3FDB];
	s0 =	simm.s32 @p2 $0x1  }
0x17: {  	s4 =	simm.s32 $0x1BF5;
	[smem:$0x3FBB] =	sst s0  }
0x18: {  	s0 =	sld [smem:$0x3F9E];
	_ =	swait.ge [sflag:s4], $0x0  }
0x19: {  	s7 =	sld [smem:$0x3F9F]  }
0x1a: {  	s8 =	sadd.s32 $0xFFFFE003, lr  }
0x1b: {  	s9 =	sadd.s32 $0xFFFFFEF7, lr;
	s5 =	simm.s32 $0xFFFFFFFF;
	p2 =	slt.u32 s8, $0xFFFFF086  }
0x1c: {  	p1 =	slt.u32 s9, $0xF7A;
	s5 =	simm.s32 @!p2 $0x0  }
0x1d: {  	s5 =	simm.s32 @p1 $0x1;
	p0 =	seq.s32 s7, s2  }
0x1e: {  	s7 =	smul.u32 @!p0 $0xF7A, s2;
	p2 =	seq.s32 @!p0 s5, $0x0  }
0x1f: {  	s9 =	smul.u32 $0xF7A, s1;
	s8 =	simm.s32 @!p0 $0x1BF5;
	p2 =	por !p2, p0  }
0x20: {  	[sflag:s8] =	ssyncset.s32 @!p0 $0xFFFFF086;
	s6 =	sadd.s32 @!p0 s3, s7;
	s7 =	simm.s32 @!p0 $0x108  }
0x21: {  	s3 =	sadd.s32 s3, s9;
	s6 =	sadd.s32 @!p0 $0x88, s6;
	s7 =	simm.s32 @p2 $0x1082  }
0x22: {  	[simem:s7], [sflag:s8] =	dma.local @!p0 [hbm:s6], $0xF7A  }
0x23: {  	s9 =	sor.u32 $0xD0000000, s2;
	s6 =	simm.s32 $0x108;
	_ =	swait.ge @!p0 [sflag:s8], $0x0  }
0x24: {  	s3 =	sadd.s32 $0x88, s3;
	s6 =	simm.s32 @!p1 $0x1082;
	[sflag:s4] =	ssyncset.s32 $0xFFFFF086  }
0x25: {  	[simem:s6], [sflag:s4] =	dma.local [hbm:s3], $0xF7A  }
0x26: {  	[smem:$0x3F9F] =	sst s1;
	(tag) =	ssettag s2;
	_ =	strace s9  }
0x27: {  	s1 =	sld [smem:$0x3FAF]  }
0x28: {  	s2 =	sld [smem:$0x3FB0]  }
0x29: {  	s4 =	sld [smem:$0x3FB2]  }
0x2a: {  	p0 =	seq.s32 s5, $0x0;
	s5 =	sld [smem:$0x3FB3]  }
0x2b: {  	s6 =	sld [smem:$0x3FB4]  }
0x2c: {  	s7 =	sld [smem:$0x3FB5]  }
0x2d: {  	s3 =	simm.s32 $0x108;
	s8 =	sld [smem:$0x3FB6]  }
0x2e: {  	s3 =	simm.s32 @!p0 $0x1082;
	s9 =	sld [smem:$0x3FB7]  }
0x2f: {  	lr =	sadd.s32 s0, s3;
	s0 =	sld [smem:$0x3FAE]  }
0x30: {  	s3 =	sld [smem:$0x3FB1]  }
0x31: {  	[smem:$0x3FBA] =	sst s10  }
0x32: {  	s10 =	sld [smem:$0x3FB8];
	_ =	sdelay $0x3  }
0x33: {  	p0 =	seq.s32 s10, $0x1;
	s10 =	sld [smem:$0x3FBA];
	_ =	sdelay $0x3  }
0x34: {  	[smem:$0x3FBA] =	sst s10  }
0x35: {  	s10 =	sld [smem:$0x3FB9];
	_ =	sdelay $0x3  }
0x36: {  	p1 =	seq.s32 s10, $0x1;
	s10 =	sld [smem:$0x3FBA];
	_ =	sdelay $0x3  }
0x37: {  	[smem:$0x3FBA] =	sst s10  }
0x38: {  	s10 =	sld [smem:$0x3FBB]  }
0x39: {  	_ = 	snop;
	(pc) =	sbr.ind lr, $3  }
0x3a: {  	_ = 	snop  }
0x3b: {  	_ = 	snop  }
0x3c: {  	p2 =	seq.s32 s10, $0x1;
	s10 =	sld [smem:$0x3FBA]  }
0x3d: {  	_ =	shalt  }
0x3e: {  	_ =	shalt  }
0x3f: {  	_ =	shalt  }
0x40: {  	_ =	shalt  }
0x41: {  	_ =	shalt  }
0x42: {  	_ =	shalt  }
0x43: {  	_ =	shalt  }
0x44: {  	_ =	shalt  }
0x45: {  	_ =	shalt  }
0x46: {  	_ =	shalt  }
0x47: {  	_ =	shalt  }
0x48: {  	_ =	shalt  }
0x49: {  	_ =	shalt  }
0x4a: {  	_ =	shalt  }
0x4b: {  	_ =	shalt  }
0x4c: {  	_ =	shalt  }
0x4d: {  	_ =	shalt  }
0x4e: {  	_ =	shalt  }
0x4f: {  	_ =	shalt  }
0x50: {  	_ =	shalt  }
0x51: {  	_ =	shalt  }
0x52: {  	_ =	shalt  }
0x53: {  	_ =	shalt  }
0x54: {  	_ =	shalt  }
0x55: {  	_ =	shalt  }
0x56: {  	_ =	shalt  }
0x57: {  	_ =	shalt  }
0x58: {  	_ =	shalt  }
0x59: {  	_ =	shalt  }
0x5a: {  	_ =	shalt  }
0x5b: {  	_ =	shalt  }
0x5c: {  	_ =	shalt  }
0x5d: {  	_ =	shalt  }
0x5e: {  	_ =	shalt  }
0x5f: {  	_ =	shalt  }
0x60: {  	_ =	shalt  }
0x61: {  	_ =	shalt  }
0x62: {  	_ =	shalt  }
0x63: {  	_ =	shalt  }
0x64: {  	_ =	shalt  }
0x65: {  	_ =	shalt  }
0x66: {  	_ =	shalt  }
0x67: {  	_ =	shalt  }
0x68: {  	_ =	shalt  }
0x69: {  	_ =	shalt  }
0x6a: {  	_ =	shalt  }
0x6b: {  	_ =	shalt  }
0x6c: {  	_ =	shalt  }
0x6d: {  	_ =	shalt  }
0x6e: {  	_ =	shalt  }
0x6f: {  	_ =	shalt  }
0x70: {  	_ =	shalt  }
0x71: {  	_ =	shalt  }
0x72: {  	_ =	shalt  }
0x73: {  	_ =	shalt  }
0x74: {  	_ =	shalt  }
0x75: {  	_ =	shalt  }
0x76: {  	_ =	shalt  }
0x77: {  	_ =	shalt  }
0x78: {  	_ =	shalt  }
0x79: {  	_ =	shalt  }
0x7a: {  	_ =	shalt  }
0x7b: {  	_ =	shalt  }
0x7c: {  	_ =	shalt  }
0x7d: {  	_ =	shalt  }
0x7e: {  	_ =	shalt  }
0x7f: {  	_ =	shalt  }
0x80: {  	_ =	shalt  }
0x81: {  	_ =	shalt  }
0x82: {  	_ =	shalt  }
0x83: {  	_ =	shalt  }
0x84: {  	_ =	shalt  }
0x85: {  	_ =	shalt  }
0x86: {  	_ =	shalt  }
0x87: {  	_ =	shalt  }
.Lfunc_end0:
.L_simem_size_0:
called_computation_lowered:
.L_overlay_start_0:
0x88: {  	s2 =	sld [smem:$0x3FD9]  }
0x89: {  	s3 =	sld [smem:$0x3FFE];
	_ =	sdelay $0x1  }
0x8a: {  	s1 =	srdreg.scid  }
0x8b: {  	s0 =	sand.u32 $0x1, s1  }
0x8c: {  	s14 =	sshll.u32 s0, $0xA;
	s2 =	sadd.s32 s3, s2  }
0x8d: {  	s2 =	sadd.s32 s2, s14  }
0x8e: {  	[smem:$0x3FC6] =	sst s2  }
0x8f: {  	_ = 	snop  }
0x90: {  	s2 =	sld [smem:$0x3FD0];
	_ =	sdelay $0x2  }
0x91: {  	s15 =	simm.s32 $0xA;
	s4 =	simm.s32 $0x10  }
0x92: {  	[smem:s4], [sflag:s15] =	dma.local [hbm:s2], $0x1  }
0x93: {  	_ =	swait.eq [sflag:s15], $0x1  }
0x94: {  	[sflag:s15] =	ssyncset.done $0x0  }
0x95: {  	[sflag:s15] =	ssyncadd.s32 $0xFFFFFFFF  }
0x96: {  	s16 =	sld [smem:$0x10];
	(tm) =	ssettm $0x1  }
0x97: {  	s17 =	sld [smem:$0x3FFB];
	_ =	sdelay $0x3  }
0x98: {  	_ =	strace s17  }
0x99: {  	s3 =	sld [smem:$0x3FFC];
	_ =	sdelay $0x3  }
0x9a: {  	_ =	strace s3  }
0x9b: {  	s3 =	sld [smem:$0x3FFD];
	_ =	sdelay $0x3  }
0x9c: {  	_ =	strace s3  }
0x9d: {  	_ =	strace $0x8FFFFFFF  }
0x9e: {  	s18 =	sld [smem:$0x3FDB];
	_ =	sdelay $0x1  }
0x9f: {  	s19 =	simm.s32 $_scs_section_size  }
0xa0: {  	s5 =	simm.s32 $_size__tile_overlayer_lowered;
	s6 =	simm.s32 $_tile_overlayer_lowered  }
0xa1: {  	s22 =	simm.s32 $0x1BFF;
	s21 =	sshll.u32 s6, $0x1;
	s3 =	sadd.s32 s19, s18  }
0xa2: {  	s7 =	simm.s32 $0x0;
	s20 =	sshll.u32 s5, $0x1;
	s5 =	sadd.s32 s21, s3  }
0xa3: {  	[timem:s7], [sflag:s22] =	dma.local [hbm:s5], s20  }
0xa4: {  	_ =	swait.ge [sflag:s22], s20  }
0xa5: {  	s4 =	ssub.s32 $0x0, s20;
	[sflag:s22] =	ssyncset.done $0x0  }
0xa6: {  	[sflag:s22] =	ssyncadd.s32 s4;
	_ =	sdelay $0x1  }
0xa7: {  	s23 =	simm.s32 $0x1B8B  }
0xa8: {  	_ =	swait.ge [sflag:s23], $0x1  }
0xa9: {  	[sflag:s23] =	ssyncset.done $0x0  }
0xaa: {  	s25 =	simm.s32 $0x1B8E;
	s24 =	sld [smem:$0x3FFE];
	[sflag:s23] =	ssyncadd.s32 $0xFFFFFFFF  }
0xab: {  	s26 =	simm.s32 $execute0_lowered;
	[smem:$0x3FD2] =	sst s25  }
0xac: {  	s5 =	sshll.u32 s26, $0x1;
	_ =	strace $0x80000046;
	[dreg:$0x1] =	wrdreg $0xFFFFFFFF  }
0xad: {  	s28 =	simm.s32 $_size_execute0_lowered;
	s3 =	sadd.s32 s3, s5;
	[dreg:$0x0] =	wrdreg $0x0  }
0xae: {  	s5 =	sshll.u32 s28, $0x1;
	[dreg:$0x2] =	wrdreg s3  }
0xaf: {  	[dreg:$0x3] =	wrdreg s5  }
0xb0: {  	[dreg:$0x4] =	wrdreg $0xC0  }
0xb1: {  	_ =	task [dreg:s7], $0x5FFFF  }
0xb2: {  	[dreg:$0x1] =	wrdreg $0xFFFFFFFF  }
0xb3: {  	[dreg:$0x0] =	wrdreg $0x60  }
0xb4: {  	[dreg:$0x2] =	wrdreg s16  }
0xb5: {  	[dreg:$0x3] =	wrdreg s24  }
0xb6: {  	[dreg:$0x4] =	wrdreg $0x9  }
0xb7: {  	_ =	task.clear_ibuf [dreg:s7], $0x5FFFF;
	_ =	strace $0x90000046  }
0xb8: {  	s29 =	simm.s32 $0x9;
	_ =	strace $0x80000048  }
0xb9: {  	_ =	swait.ge [sflag:s29], $0x1  }
0xba: {  	[sflag:s29] =	ssyncadd.s32 $0xFFFFFFFF  }
0xbb: {  	_ =	strace $0x90000048  }
0xbc: {  	_ =	sfence  }
0xbd: {  	s30 =	sld [smem:$0x0];
	_ =	sdelay $0x2  }
0xbe: {  	s31 =	sshll.u32 s1, $0xD;
	s1 =	sshrl.u32 s1, $0x2  }
0xbf: {  	s3 =	sand.u32 $0x4000, s31;
	s1 =	sadd.s32 s1, s30  }
0xc0: {  	s0 =	sor.u32 s3, s0;
	s1 =	sshll.u32 s1, $0x11  }
0xc1: {  	s0 =	sor.u32 s1, s0  }
0xc2: {  	s0 =	sadd.s32 $0x8F2B, s0  }
0xc3: {  	[sflag:s0] =	ssyncadd.remote.s32 $0x1  }
0xc4: {  	_ =	sfence.sel $0xFFFF  }
0xc5: {  	[dreg:$0x0] =	wrdreg $0xFFFFFFFF;
	(pc) =	sbr.abs _section_cstart, $3  }
0xc6: {  	[dreg:$0x1] =	wrdreg $0xFFFFFFFF  }
0xc7: {  	_ =	task.clear_ibuf [dreg:s7], $0x2FFFF;
	_ =	strace $0x9FFFFFFF  }
0xc8: {  	(tm) =	ssettm $0x7FFFFFFF  }
0xc9: {  	_ =	shalt  }
tec
execute0_lowered:
.L_overlay_start_1:
0x0: {  	(tag) =	ssettag $0x1  }
0x1: {  	s0 =	rddreg [dreg:$0x0]  }
0x2: {  	s1 =	rddreg [dreg:$0x1];
	s2 =	simm.s32 $0x0  }
0x3: {  	s5 =	stileid.u32;
	s3 =	srdreg.scid;
	s8 =	simm.s32 $0x800  }
0x4: {  	s9 =	simm.s32 $0x1;
	s12 =	simm.s32 $0x0;
	[smem:$0x7FF] =	sst s2  }
0x5: {  	s4 =	sshll.u32 s5, $0x1;
	s5 =	sshrl.u32 s5, $0x2;
	s3 =	sand.u32 $0x1, s3  }
0x6: {  	s4 =	sand.u32 $0x6, s4;
	_ =	strace $0x80000047;
	s6 =	sshll.u32 s5, $0x8  }
0x7: {  	s5 =	sshll.u32 s5, $0xE;
	s4 =	sor.u32 s3, s4;
	s3 =	ssub.s32 $0x2, s3  }
0x8: {  	s6 =	sadd.s32 s6, s1;
	s4 =	sshll.u32 s4, $0xA;
	s7 =	sshrl.u32 s3, $0x1  }
0x9: {  	s5 =	sor.u32 s5, s4;
	s7 =	ssub.s32 s3, s7;
	s0 =	sadd.s32 s0, s4  }
0xa: {  	s4 =	sadd.s32 $0x600, s6;
	s1 =	sadd.s32 s5, s1;
	[dreg:$0x3] =	wrdreg s0  }
0xb: {  	s7 =	smax.u32 s7, $0x1;
	s5 =	sadd.s32 $0xA00, s1;
	s6 =	sadd.s32 $0x2A00, s1  }
.LBB2_1:
0xc: {  	s0 =	rddreg [dreg:$0x3]  }
0xd: {  	[tilespmem:s8], [sflag:$0x1] =	stream.linear.gather [hbm4b:s0+s2], $0x2000, $0x38;
	[tilespmem:$0x6800] =	vst v63  }
0xe: {  	_ =	swait.ge [sflag:s9], $0x2000  }
0xf: {  	[sflag:s9] =	ssyncset.done $0x0  }
0x10: {  	[sflag:s9] =	ssyncadd.s32 $0xFFFFE000  }
0x11: {  	[tilespmem:s2], [sflag:$0x1] =	stream.linear.gather [hbm4b:s4+s2], $0x800, $0x38;
	[tilespmem:$0x6800] =	vst v63  }
0x12: {  	s20 =	sand.u32 $0x40, s2;
	_ =	swait.ge [sflag:s9], $0x800  }
0x13: {  	s1 =	sand.u32 $0x780, s2;
	s10 =	sor.u32 $0x30, s20;
	[sflag:s9] =	ssyncset.done $0x0  }
0x14: {  	s13 =	sor.u32 $0x10, s20;
	s11 =	sor.u32 s10, s1;
	[sflag:s9] =	ssyncadd.s32 $0xFFFFF800  }
0x15: {  	s14 =	sor.u32 $0x20, s20;
	s21 =	sor.u32 s13, s1;
	v5 =	vld [tilespmem:s11+$0x0]  }
0x16: {  	s1 =	sor.u32 s14, s1;
	v4 =	vld [tilespmem:s21+$0x0]  }
0x17: {  	v3 =	vld [tilespmem:s1+$0x0];
	_ =	sdelay $0x1  }
0x18: {  	v0 =	vld [tilespmem:s2+$0x0];
	_ =	sdelay $0x3  }
0x19: {  	v1 =	vld.idx.msk [tilespmem:v5+s8+$0x0], $0xffff  }
0x1a: {  	v2 =	vadd.s32 $0x400, v5;
	v6 =	vld.idx.msk [tilespmem:v4+s8+$0x0], $0xffff  }
0x1b: {  	s22 =	sand.u32 $0x3C00, s2;
	v7 =	vadd.s32 $0x400, v4;
	v8 =	vld.idx.msk [tilespmem:v3+s8+$0x0], $0xffff  }
0x1c: {  	s1 =	sadd.s32 $0x2800, s22;
	v10 =	vadd.s32 $0x400, v3  }
0x1d: {  	s10 =	sor.u32 s10, s1;
	v9 =	vld.idx.msk [tilespmem:v0+s8+$0x0], $0xffff  }
0x1e: {  	s23 =	sor.u32 s13, s1;
	[tilespmem:s10+$0x0] =	vst v1  }
0x1f: {  	s14 =	sor.u32 s14, s1;
	v11 =	vadd.s32 $0x400, v0;
	[tilespmem:s23+$0x0] =	vst v6;
	v1 =	vld.idx.msk [tilespmem:v2+s8+$0x0], $0xffff  }
0x20: {  	[tilespmem:s14+$0x0] =	vst v8;
	v2 =	vadd.s32 $0x800, v5;
	v6 =	vld.idx.msk [tilespmem:v7+s8+$0x0], $0xffff  }
0x21: {  	s0 =	sor.u32 s20, s1;
	v7 =	vadd.s32 $0x800, v4;
	v8 =	vld.idx.msk [tilespmem:v10+s8+$0x0], $0xffff  }
0x22: {  	[tilespmem:s0+$0x0] =	vst v9;
	v9 =	vadd.s32 $0x800, v3;
	_ =	sdelay $0x1  }
0x23: {  	v10 =	vld.idx.msk [tilespmem:v11+s8+$0x0], $0xffff;
	[tilespmem:s10+$0x80] =	vst v1  }
0x24: {  	s13 =	simm.s32 $0x40;
	v11 =	vadd.s32 $0x800, v0;
	[tilespmem:s23+$0x80] =	vst v6;
	v1 =	vld.idx.msk [tilespmem:v2+s8+$0x0], $0xffff  }
0x25: {  	s17 =	sand.u32 $0x40, s13;
	[tilespmem:s14+$0x80] =	vst v8;
	v2 =	vadd.s32 $0xC00, v5;
	v6 =	vld.idx.msk [tilespmem:v7+s8+$0x0], $0xffff  }
0x26: {  	s24 =	sand.u32 $0x780, s13;
	s19 =	sor.u32 $0x10, s17;
	v7 =	vadd.s32 $0xC00, v4;
	v8 =	vld.idx.msk [tilespmem:v9+s8+$0x0], $0xffff  }
0x27: {  	s25 =	sor.u32 s19, s24;
	v9 =	vadd.s32 $0xC00, v3  }
0x28: {  	v15 =	vld [tilespmem:s25+$0x0];
	[tilespmem:s0+$0x80] =	vst v10  }
0x29: {  	v10 =	vld.idx.msk [tilespmem:v11+s8+$0x0], $0xffff;
	[tilespmem:s10+$0x100] =	vst v1  }
0x2a: {  	v11 =	vadd.s32 $0xC00, v0;
	[tilespmem:s23+$0x100] =	vst v6;
	v12 =	vld.idx.msk [tilespmem:v2+s8+$0x0], $0xffff  }
0x2b: {  	s18 =	sor.u32 $0x30, s17;
	[tilespmem:s14+$0x100] =	vst v8;
	v7 =	vld.idx.msk [tilespmem:v7+s8+$0x0], $0xffff  }
0x2c: {  	s20 =	sor.u32 $0x20, s17;
	s15 =	sor.u32 s18, s24;
	v6 =	vadd.s32 $0x1000, v5;
	v8 =	vld.idx.msk [tilespmem:v9+s8+$0x0], $0xffff  }
0x2d: {  	s1 =	sor.u32 s20, s24;
	v9 =	vadd.s32 $0x1000, v4;
	v2 =	vld [tilespmem:s15+$0x0]  }
0x2e: {  	v16 =	vld [tilespmem:s1+$0x0];
	[tilespmem:s0+$0x100] =	vst v10  }
0x2f: {  	v10 =	vld.idx.msk [tilespmem:v11+s8+$0x0], $0xffff;
	v11 =	vadd.s32 $0x1000, v3  }
0x30: {  	p0 =	por $0x0, $0x0;
	v1 =	vld [tilespmem:s13+$0x0];
	s15 =	simm.s32 $0x1;
	[tilespmem:s10+$0x180] =	vst v12  }
0x31: {  	s15 =	simm.s32 @!p0 $0x0;
	v12 =	vadd.s32 $0x1000, v0;
	[tilespmem:s23+$0x180] =	vst v7;
	v6 =	vld.idx.msk [tilespmem:v6+s8+$0x0], $0xffff  }
0x32: {  	s26 =	sshll.u32 s15, $0x6;
	[tilespmem:s14+$0x180] =	vst v8;
	v8 =	vld.idx.msk [tilespmem:v9+s8+$0x0], $0xffff  }
0x33: {  	v17 =	vld.idx.msk [tilespmem:v15+s8+$0x0], $0xffff;
	s15 =	sadd.s32 $0x0, s26;
	v7 =	vadd.s32 $0x1400, v5  }
0x34: {  	[tilespmem:s0+$0x180] =	vst v10;
	s0 =	sadd.s32 $0x30, s15;
	s14 =	simm.s32 $0x200;
	v9 =	vld.idx.msk [tilespmem:v11+s8+$0x0], $0xffff;
	v11 =	vadd.s32 $0x1400, v4  }
0x35: {  	s16 =	sadd.s32 $0x10, s15;
	s28 =	sor.u32 $0x200, s0;
	s3 =	sand.u32 $0x3C00, s14;
	v14 =	vld.idx.msk [tilespmem:v2+s8+$0x0], $0xffff  }
0x36: {  	s29 =	sor.u32 $0x200, s16;
	v19 =	vadd.s32 $0x400, v2;
	s21 =	sadd.s32 $0x2800, s3;
	v10 =	vld.idx.msk [tilespmem:v12+s8+$0x0], $0xffff;
	[tilespmem:s28+$0x2800] =	vst v6  }
0x37: {  	s1 =	sadd.s32 $0x20, s15;
	s23 =	sor.u32 s19, s21;
	v6 =	vadd.s32 $0x1400, v3;
	[tilespmem:s29+$0x2800] =	vst v8;
	v8 =	vld.idx.msk [tilespmem:v16+s8+$0x0], $0xffff  }
0x38: {  	v13 =	vadd.s32 $0x1400, v0;
	s30 =	sor.u32 $0x200, s1;
	[tilespmem:s23+$0x0] =	vst v17;
	v7 =	vld.idx.msk [tilespmem:v7+s8+$0x0], $0xffff  }
0x39: {  	s25 =	sor.u32 s18, s21;
	[tilespmem:s30+$0x2800] =	vst v9;
	v9 =	vld.idx.msk [tilespmem:v11+s8+$0x0], $0xffff;
	v11 =	vadd.s32 $0x400, v16  }
0x3a: {  	v18 =	vadd.s32 $0x1800, v5;
	s31 =	sor.u32 $0x200, s15;
	v12 =	vld.idx.msk [tilespmem:v1+s8+$0x0], $0xffff;
	[tilespmem:s25+$0x0] =	vst v14  }
0x3b: {  	v20 =	vadd.s32 $0x400, v15;
	s22 =	sor.u32 s20, s21;
	v17 =	vld.idx.msk [tilespmem:v19+s8+$0x0], $0xffff;
	[tilespmem:s31+$0x2800] =	vst v10  }
0x3c: {  	s24 =	sor.u32 $0x280, s0;
	v10 =	vadd.s32 $0x400, v1;
	v6 =	vld.idx.msk [tilespmem:v6+s8+$0x0], $0xffff;
	[tilespmem:s22+$0x0] =	vst v8  }
0x3d: {  	v21 =	vld.idx.msk [tilespmem:v13+s8+$0x0], $0xffff;
	[tilespmem:s24+$0x2800] =	vst v7;
	v7 =	vadd.s32 $0x1800, v4  }
0x3e: {  	s19 =	sor.u32 s17, s21;
	v14 =	vadd.s32 $0x1800, v3;
	v8 =	vld.idx.msk [tilespmem:v11+s8+$0x0], $0xffff  }
0x3f: {  	s26 =	sor.u32 $0x280, s16;
	[tilespmem:s19+$0x0] =	vst v12;
	v11 =	vadd.s32 $0x800, v2;
	v13 =	vld.idx.msk [tilespmem:v18+s8+$0x0], $0xffff  }
0x40: {  	v5 =	vadd.s32 $0x1C00, v5;
	[tilespmem:s26+$0x2800] =	vst v9;
	v18 =	vld.idx.msk [tilespmem:v20+s8+$0x0], $0xffff  }
0x41: {  	s28 =	sor.u32 $0x280, s1;
	v19 =	vadd.s32 $0x800, v16;
	[tilespmem:s25+$0x80] =	vst v17;
	v10 =	vld.idx.msk [tilespmem:v10+s8+$0x0], $0xffff  }
0x42: {  	s30 =	sor.u32 $0x280, s15;
	v12 =	vadd.s32 $0x800, v15;
	[tilespmem:s28+$0x2800] =	vst v6;
	v22 =	vld.idx.msk [tilespmem:v7+s8+$0x0], $0xffff  }
0x43: {  	v23 =	vadd.s32 $0x1800, v0;
	s29 =	sor.u32 $0x300, s0;
	[tilespmem:s30+$0x2800] =	vst v21;
	v14 =	vld.idx.msk [tilespmem:v14+s8+$0x0], $0xffff  }
0x44: {  	v6 =	vadd.s32 $0x800, v1;
	v17 =	vld.idx.msk [tilespmem:v11+s8+$0x0], $0xffff;
	[tilespmem:s29+$0x2800] =	vst v13  }
0x45: {  	v25 =	vadd.s32 $0x1C00, v4;
	[tilespmem:s22+$0x80] =	vst v8;
	v24 =	vld.idx.msk [tilespmem:v5+s8+$0x0], $0xffff  }
0x46: {  	v3 =	vadd.s32 $0x1C00, v3;
	s31 =	sor.u32 $0x300, s16;
	[tilespmem:s23+$0x80] =	vst v18;
	v19 =	vld.idx.msk [tilespmem:v19+s8+$0x0], $0xffff  }
0x47: {  	v9 =	vadd.s32 $0x1000, v15;
	v4 =	vadd.s32 $0x1C00, v15;
	v18 =	vld.idx.msk [tilespmem:v12+s8+$0x0], $0xffff;
	[tilespmem:s31+$0x2800] =	vst v22;
	v22 =	vadd.s32 $0xC00, v2  }
0x48: {  	s17 =	simm.s32 $0x4;
	s20 =	sor.u32 $0x300, s15;
	v7 =	vadd.s32 $0x1400, v15;
	v12 =	vadd.s32 $0xC00, v15;
	v5 =	vadd.s32 $0x1800, v15;
	v15 =	vld.idx.msk [tilespmem:v23+s8+$0x0], $0xffff;
	[tilespmem:s19+$0x80] =	vst v10  }
0x49: {  	s18 =	sor.u32 $0x380, s16;
	s21 =	simm.s32 $0x80;
	s0 =	sor.u32 $0x380, s0;
	v21 =	vadd.s32 $0xC00, v1;
	v8 =	vadd.s32 $0x1400, v16;
	v13 =	vadd.s32 $0xC00, v16;
	v20 =	vld.idx.msk [tilespmem:v6+s8+$0x0], $0xffff  }
0x4a: {  	s15 =	sor.u32 $0x380, s15;
	s16 =	sor.u32 $0x380, s1;
	s24 =	sor.u32 $0x300, s1;
	v11 =	vadd.s32 $0x1C00, v16;
	v10 =	vadd.s32 $0x1000, v16;
	v6 =	vadd.s32 $0x1800, v16;
	v16 =	vld.idx.msk [tilespmem:v25+s8+$0x0], $0xffff;
	[tilespmem:s0+$0x2800] =	vst v24  }
.LBB2_2:
0x4b: {  	v23 =	vld [tilespmem:s21+$0x0];
	[tilespmem:s25+$0x100] =	vst v17  }
0x4c: {  	[tilespmem:s23+$0x100] =	vst v18;
	v17 =	vld.idx.msk [tilespmem:v22+s8+$0x0], $0xffff;
	v18 =	vadd.s32 $0x1C00, v0;
	v0 =	vmov v1  }
0x4d: {  	v12 =	vld.idx.msk [tilespmem:v12+s8+$0x0], $0xffff;
	[tilespmem:s22+$0x100] =	vst v19  }
0x4e: {  	s13 =	sadd.s32 $0x40, s13;
	v19 =	vadd.s32 $0x1000, v2;
	[tilespmem:s19+$0x100] =	vst v20;
	v13 =	vld.idx.msk [tilespmem:v13+s8+$0x0], $0xffff  }
0x4f: {  	s28 =	sand.u32 $0x40, s13;
	v20 =	vld.idx.msk [tilespmem:v21+s8+$0x0], $0xffff;
	[tilespmem:s24+$0x2800] =	vst v14  }
0x50: {  	s17 =	sadd.s32 $0x4, s17;
	s0 =	sand.u32 $0x780, s13;
	s29 =	sor.u32 $0x30, s28;
	[tilespmem:s20+$0x2800] =	vst v15;
	v14 =	vld.idx.msk [tilespmem:v3+s8+$0x0], $0xffff;
	v1 =	vmov v23;
	v3 =	vmov v11  }
0x51: {  	p1 =	slt.u32 s17, $0x7C;
	s30 =	sor.u32 $0x10, s28;
	s1 =	sor.u32 s29, s0;
	v11 =	vld.idx.msk [tilespmem:v18+s8+$0x0], $0xffff;
	[tilespmem:s18+$0x2800] =	vst v16  }
0x52: {  	s31 =	sor.u32 $0x20, s28;
	s10 =	sor.u32 s30, s0;
	v15 =	vld [tilespmem:s1+$0x0];
	[tilespmem:s25+$0x180] =	vst v17  }
0x53: {  	p0 =	por !p0, !p0;
	s0 =	sor.u32 s31, s0;
	v16 =	vadd.s32 $0x1000, v0;
	s1 =	simm.s32 $0x1;
	[tilespmem:s23+$0x180] =	vst v12;
	v17 =	vld.idx.msk [tilespmem:v19+s8+$0x0], $0xffff  }
0x54: {  	s1 =	simm.s32 @!p0 $0x0;
	v18 =	vld [tilespmem:s10+$0x0];
	[tilespmem:s22+$0x180] =	vst v13  }
0x55: {  	v19 =	vld [tilespmem:s0+$0x0];
	s0 =	sshll.u32 s1, $0x6;
	[tilespmem:s19+$0x180] =	vst v20;
	v20 =	vadd.s32 $0x1400, v2  }
0x56: {  	s19 =	sadd.s32 s0, s14;
	v21 =	vld.idx.msk [tilespmem:v9+s8+$0x0], $0xffff;
	[tilespmem:s16+$0x2800] =	vst v14  }
0x57: {  	s16 =	sadd.s32 $0x10, s19;
	v14 =	vld.idx.msk [tilespmem:v10+s8+$0x0], $0xffff;
	s22 =	sadd.s32 $0x20, s19;
	s26 =	sadd.s32 $0x30, s19;
	[tilespmem:s15+$0x2800] =	vst v11  }
0x58: {  	v22 =	vadd.s32 $0x1400, v0;
	v16 =	vld.idx.msk [tilespmem:v16+s8+$0x0], $0xffff;
	s23 =	sor.u32 $0x200, s16;
	s25 =	sor.u32 $0x200, s22;
	s0 =	sor.u32 $0x200, s26  }
0x59: {  	s3 =	sor.u32 $0x200, s19;
	s11 =	sor.u32 $0x280, s16;
	s10 =	sor.u32 $0x280, s22;
	v23 =	vld.idx.msk [tilespmem:v23+s8+$0x0], $0xffff;
	v24 =	vadd.s32 $0x400, v18;
	v25 =	vadd.s32 $0x800, v18;
	v12 =	vadd.s32 $0xC00, v18;
	[tilespmem:s0+$0x2800] =	vst v17  }
0x5a: {  	s1 =	sor.u32 $0x280, s19;
	s24 =	sor.u32 $0x300, s22;
	s0 =	sor.u32 $0x300, s16;
	v17 =	vadd.s32 $0x400, v19;
	v26 =	vadd.s32 $0x800, v19;
	v13 =	vadd.s32 $0xC00, v19;
	v20 =	vld.idx.msk [tilespmem:v20+s8+$0x0], $0xffff  }
0x5b: {  	s20 =	sor.u32 $0x300, s19;
	s18 =	sor.u32 $0x380, s16;
	v9 =	vadd.s32 $0x1000, v18;
	v27 =	vadd.s32 $0x1400, v18;
	s16 =	sor.u32 $0x380, s22;
	v10 =	vadd.s32 $0x1000, v19;
	v28 =	vld.idx.msk [tilespmem:v15+s8+$0x0], $0xffff  }
0x5c: {  	s15 =	sor.u32 $0x380, s19;
	v30 =	vadd.s32 $0x1800, v18;
	v31 =	vadd.s32 $0x1400, v19;
	v29 =	vld.idx.msk [tilespmem:v18+s8+$0x0], $0xffff;
	[tilespmem:s23+$0x2800] =	vst v21;
	v21 =	vadd.s32 $0x1800, v2  }
0x5d: {  	s14 =	sadd.s32 $0x200, s14;
	v34 =	vadd.s32 $0x400, v15;
	v32 =	vadd.s32 $0x1C00, v18;
	v33 =	vadd.s32 $0x1800, v19;
	v18 =	vld.idx.msk [tilespmem:v19+s8+$0x0], $0xffff;
	[tilespmem:s25+$0x2800] =	vst v14  }
0x5e: {  	s19 =	sand.u32 $0x3C00, s14;
	v11 =	vadd.s32 $0x1C00, v19;
	[tilespmem:s3+$0x2800] =	vst v16;
	v14 =	vld.idx.msk [tilespmem:v7+s8+$0x0], $0xffff;
	v7 =	vmov v27  }
0x5f: {  	s22 =	sor.u32 $0x280, s26;
	s3 =	sadd.s32 $0x2800, s19;
	v16 =	vld.idx.msk [tilespmem:v8+s8+$0x0], $0xffff;
	v8 =	vmov v31  }
0x60: {  	v19 =	vadd.s32 $0x400, v1;
	s19 =	sor.u32 s28, s3;
	s23 =	sor.u32 s30, s3;
	s25 =	sor.u32 s29, s3;
	v27 =	vld.idx.msk [tilespmem:v22+s8+$0x0], $0xffff;
	[tilespmem:s22+$0x2800] =	vst v20  }
0x61: {  	s22 =	sor.u32 s31, s3;
	[tilespmem:s25+$0x0] =	vst v28;
	v20 =	vld.idx.msk [tilespmem:v21+s8+$0x0], $0xffff  }
0x62: {  	[tilespmem:s23+$0x0] =	vst v29;
	v21 =	vld.idx.msk [tilespmem:v34+s8+$0x0], $0xffff  }
0x63: {  	v22 =	vld.idx.msk [tilespmem:v24+s8+$0x0], $0xffff;
	[tilespmem:s22+$0x0] =	vst v18;
	v18 =	vadd.s32 $0x1C00, v2;
	v2 =	vmov v15  }
0x64: {  	[tilespmem:s19+$0x0] =	vst v23;
	v15 =	vld.idx.msk [tilespmem:v17+s8+$0x0], $0xffff;
	v17 =	vadd.s32 $0x800, v2  }
0x65: {  	v19 =	vld.idx.msk [tilespmem:v19+s8+$0x0], $0xffff;
	[tilespmem:s11+$0x2800] =	vst v14  }
0x66: {  	s3 =	sor.u32 $0x300, s26;
	v23 =	vld.idx.msk [tilespmem:v5+s8+$0x0], $0xffff;
	[tilespmem:s10+$0x2800] =	vst v16;
	v5 =	vmov v30  }
0x67: {  	v16 =	vadd.s32 $0x800, v1;
	v14 =	vld.idx.msk [tilespmem:v6+s8+$0x0], $0xffff;
	[tilespmem:s3+$0x2800] =	vst v20;
	v6 =	vmov v33  }
0x68: {  	[tilespmem:s25+$0x80] =	vst v21;
	v21 =	vadd.s32 $0x1800, v0;
	v24 =	vld.idx.msk [tilespmem:v18+s8+$0x0], $0xffff  }
0x69: {  	[tilespmem:s23+$0x80] =	vst v22;
	v17 =	vld.idx.msk [tilespmem:v17+s8+$0x0], $0xffff  }
.Ltmp0:
0x6a: {  	v18 =	vld.idx.msk [tilespmem:v25+s8+$0x0], $0xffff;
	[tilespmem:s22+$0x80] =	vst v15;
	(pc) =	sbr.rel @p1 .LBB2_2-.Ltmp0, $4  }
0x6b: {  	v22 =	vadd.s32 $0xC00, v2;
	[tilespmem:s19+$0x80] =	vst v19;
	v19 =	vld.idx.msk [tilespmem:v26+s8+$0x0], $0xffff  }
0x6c: {  	v20 =	vld.idx.msk [tilespmem:v16+s8+$0x0], $0xffff;
	[tilespmem:s1+$0x2800] =	vst v27  }
0x6d: {  	v15 =	vld.idx.msk [tilespmem:v21+s8+$0x0], $0xffff;
	[tilespmem:s0+$0x2800] =	vst v23;
	s0 =	sor.u32 $0x380, s26  }
0x6e: {  	s21 =	sadd.s32 $0x40, s21;
	v21 =	vadd.s32 $0xC00, v1;
	v16 =	vld.idx.msk [tilespmem:v4+s8+$0x0], $0xffff;
	[tilespmem:s0+$0x2800] =	vst v24;
	v4 =	vmov v32  }
0x6f: {  	_ =	sdelay $0x2  }
0x70: {  	[tilespmem:s25+$0x100] =	vst v17  }
0x71: {  	[tilespmem:s23+$0x100] =	vst v18;
	v17 =	vld.idx.msk [tilespmem:v22+s8+$0x0], $0xffff  }
0x72: {  	v50 =	vadd.s32 $0x1000, v2;
	v12 =	vld.idx.msk [tilespmem:v12+s8+$0x0], $0xffff;
	[tilespmem:s22+$0x100] =	vst v19  }
0x73: {  	[tilespmem:s19+$0x100] =	vst v20;
	v13 =	vld.idx.msk [tilespmem:v13+s8+$0x0], $0xffff  }
0x74: {  	v51 =	vld.idx.msk [tilespmem:v21+s8+$0x0], $0xffff  }
0x75: {  	v52 =	vadd.s32 $0x1000, v1  }
0x76: {  	p0 =	por !p0, !p0;
	s0 =	simm.s32 $0x1;
	[tilespmem:s25+$0x180] =	vst v17  }
0x77: {  	s0 =	simm.s32 @!p0 $0x0;
	[tilespmem:s23+$0x180] =	vst v12;
	v53 =	vld.idx.msk [tilespmem:v50+s8+$0x0], $0xffff  }
0x78: {  	v54 =	vadd.s32 $0x1400, v2;
	s0 =	sshll.u32 s0, $0x6;
	[tilespmem:s22+$0x180] =	vst v13;
	v9 =	vld.idx.msk [tilespmem:v9+s8+$0x0], $0xffff  }
0x79: {  	s0 =	sadd.s32 s0, s14;
	[tilespmem:s19+$0x180] =	vst v51;
	v10 =	vld.idx.msk [tilespmem:v10+s8+$0x0], $0xffff  }
0x7a: {  	s1 =	sadd.s32 $0x30, s0;
	v55 =	vld.idx.msk [tilespmem:v52+s8+$0x0], $0xffff  }
0x7b: {  	v56 =	vadd.s32 $0x1400, v1;
	s3 =	sadd.s32 $0x10, s0;
	s10 =	sor.u32 $0x200, s1  }
0x7c: {  	s11 =	sadd.s32 $0x20, s0;
	s13 =	sor.u32 $0x200, s3;
	[tilespmem:s10+$0x2800] =	vst v53  }
0x7d: {  	s14 =	sor.u32 $0x200, s11;
	[tilespmem:s13+$0x2800] =	vst v9;
	v12 =	vld.idx.msk [tilespmem:v54+s8+$0x0], $0xffff  }
0x7e: {  	v57 =	vadd.s32 $0x1800, v2;
	s17 =	sor.u32 $0x200, s0;
	[tilespmem:s14+$0x2800] =	vst v10;
	v7 =	vld.idx.msk [tilespmem:v7+s8+$0x0], $0xffff  }
0x7f: {  	[tilespmem:s17+$0x2800] =	vst v55;
	v8 =	vld.idx.msk [tilespmem:v8+s8+$0x0], $0xffff  }
0x80: {  	v58 =	vld.idx.msk [tilespmem:v56+s8+$0x0], $0xffff  }
0x81: {  	[tilespmem:s24+$0x2800] =	vst v14;
	v59 =	vadd.s32 $0x1800, v1;
	s19 =	sor.u32 $0x280, s1  }
0x82: {  	s21 =	sor.u32 $0x280, s3;
	[tilespmem:s19+$0x2800] =	vst v12  }
0x83: {  	v0 =	vadd.s32 $0x1C00, v0;
	s22 =	sor.u32 $0x280, s11;
	[tilespmem:s21+$0x2800] =	vst v7;
	v9 =	vld.idx.msk [tilespmem:v57+s8+$0x0], $0xffff  }
0x84: {  	v60 =	vadd.s32 $0x1C00, v2;
	s23 =	sor.u32 $0x280, s0;
	v5 =	vld.idx.msk [tilespmem:v5+s8+$0x0], $0xffff;
	[tilespmem:s22+$0x2800] =	vst v8  }
0x85: {  	v6 =	vld.idx.msk [tilespmem:v6+s8+$0x0], $0xffff;
	[tilespmem:s23+$0x2800] =	vst v58  }
0x86: {  	[tilespmem:s20+$0x2800] =	vst v15;
	v61 =	vld.idx.msk [tilespmem:v59+s8+$0x0], $0xffff  }
0x87: {  	v62 =	vadd.s32 $0x1C00, v1;
	v3 =	vld.idx.msk [tilespmem:v3+s8+$0x0], $0xffff;
	[tilespmem:s18+$0x2800] =	vst v16;
	s24 =	sor.u32 $0x300, s1  }
0x88: {  	v0 =	vld.idx.msk [tilespmem:v0+s8+$0x0], $0xffff;
	s25 =	sor.u32 $0x300, s3;
	[tilespmem:s24+$0x2800] =	vst v9  }
0x89: {  	s26 =	sor.u32 $0x300, s11;
	[tilespmem:s25+$0x2800] =	vst v5;
	v2 =	vld.idx.msk [tilespmem:v60+s8+$0x0], $0xffff  }
0x8a: {  	s28 =	sor.u32 $0x300, s0;
	v4 =	vld.idx.msk [tilespmem:v4+s8+$0x0], $0xffff;
	[tilespmem:s26+$0x2800] =	vst v6  }
0x8b: {  	[tilespmem:s28+$0x2800] =	vst v61;
	v63 =	vld.idx.msk [tilespmem:v11+s8+$0x0], $0xffff  }
0x8c: {  	[tilespmem:s16+$0x2800] =	vst v3;
	v1 =	vld.idx.msk [tilespmem:v62+s8+$0x0], $0xffff  }
0x8d: {  	s1 =	sor.u32 $0x380, s1;
	[tilespmem:s15+$0x2800] =	vst v0  }
0x8e: {  	s3 =	sor.u32 $0x380, s3;
	[tilespmem:s1+$0x2800] =	vst v2  }
0x8f: {  	s29 =	sor.u32 $0x380, s11;
	[tilespmem:s3+$0x2800] =	vst v4  }
0x90: {  	s0 =	sor.u32 $0x380, s0;
	[tilespmem:s29+$0x2800] =	vst v63  }
0x91: {  	s30 =	simm.s32 $0x2800;
	[tilespmem:s0+$0x2800] =	vst v1  }
0x92: {  	[hbm4b:s5+s2] =	stream.linear.scatter [tilespmem:s30], [sflag:$0x1], $0x2000, $0x38;
	[tilespmem:$0x6800] =	vst v63  }
0x93: {  	s12 =	sadd.s32 $0x1, s12;
	_ =	swait.ge [sflag:s9], $0x2000  }
0x94: {  	p0 =	sne.s32 s12, s7;
	[sflag:s9] =	ssyncset.done $0x0  }
.Ltmp1:
0x95: {  	s31 =	simm.s32 $0x4800;
	[sflag:s9] =	ssyncadd.s32 $0xFFFFE000;
	(pc) =	sbr.rel @p0 .LBB2_1-.Ltmp1, $4  }
0x96: {  	[hbm4b:s6+s2] =	stream.linear.scatter [tilespmem:s31], [sflag:$0x1], $0x2000, $0x38;
	[tilespmem:$0x6800] =	vst v63  }
0x97: {  	_ =	swait.ge [sflag:s9], $0x2000  }
0x98: {  	[sflag:s9] =	ssyncset.done $0x0  }
0x99: {  	[sflag:s9] =	ssyncadd.s32 $0xFFFFE000  }
0x9a: {  	_ =	sfence.sel $0x180000  }
0x9b: {  	[bflag:$0x0] =	sbarrier.arrive $0xFFFF  }
0x9c: {  	_ =	strace $0x90000047  }
0x9d: {  	s0 =	stileid.u32;
	[bflag:$0x2] =	sbarrier.arrive $0xFFFF  }
0x9e: {  	p0 =	sne.s32 s0, $0x0;
	s0 =	rddreg [dreg:$0x2]  }
0x9f: {  	s0 =	sadd.s32 @!p0 $0x100000, s0  }
0xa0: {  	[sflag:s0] =	ssyncadd.tile.s32 @!p0 $0x1;
	_ =	shalt  }
.Lfunc_end2:
_tile_overlayer_lowered:
.L_overlay_start_2:
0xa1: {  	(tag) =	ssettag $0x2  }
0xa2: {  	s0 =	rddreg [dreg:$0x0];
	s2 =	stileid.u32  }
0xa3: {  	s1 =	rddreg [dreg:$0x1];
	p0 =	sne.s32 s2, $0x0  }
0xa4: {  	s3 =	rddreg [dreg:$0x2];
	[bflag:$0x3] =	sbarrier.arrive $0xFFFF;
	s2 =	simm.s32 @!p0 $0x1C01  }
0xa5: {  	[timem:s3], [sflag:s2] =	dma.local @!p0 [hbm:s0], s1  }
0xa6: {  	s0 =	simm.s32 @!p0 $0x1  }
0xa7: {  	_ =	swait.ge @!p0 [sflag:s0], s1  }
0xa8: {  	s1 =	ssub.s32 @!p0 $0x0, s1;
	[sflag:s0] =	ssyncset.done @!p0 $0x0  }
0xa9: {  	[sflag:s0] =	ssyncadd.s32 @!p0 s1  }
0xaa: {  	[bflag:$0x3] =	sbarrier.arrive $0xFFFF  }
0xab: {  	_ =	shalt  }

</sc_bundles>
